<compile_context>
chip_gen: v7x
topology: tpu7x:2x2x1
jax: 0.10.2.dev20260603
libtpu: 0.0.44.dev20260713+nightly
codegen_flags: <defaults>
</compile_context>

<pallas_src>
import functools

import jax
import jax.numpy as jnp
from jax import lax
from jax.experimental import pallas as pl
from jax.experimental.pallas import tpu as pltpu
from jax.experimental.pallas import tpu_sc as plsc

BATCH = 16384
N_FIELDS = 26
EMB = 32
TOTAL = BATCH * N_FIELDS
NW = 32
CHUNK = 128
NCH = TOTAL // (NW * CHUNK)
D = 8
G = 4

_mesh = plsc.VectorSubcoreMesh(core_axis_name="c", subcore_axis_name="s")


@functools.partial(
    pl.kernel,
    mesh=_mesh,
    out_type=(jax.ShapeDtypeStruct((NW, NCH, CHUNK, EMB), jnp.float32),
              jax.ShapeDtypeStruct((1000000, EMB), jnp.float32)),
    scratch_types=[
        pltpu.VMEM((NCH, CHUNK), jnp.int32),
        pltpu.VMEM((D, CHUNK, EMB), jnp.float32),
        pltpu.SemaphoreType.DMA((D,)),
        pltpu.SemaphoreType.DMA((D,)),
    ],
    compiler_params=pltpu.CompilerParams(
        use_tc_tiling_on_sc=False, needs_layout_passes=False),
)
def _emb_gather(idx_hbm, table_hbm, out_hbm, trm_hbm, idx_v, rows_v, gsem, ssem):
    wid = lax.axis_index("s") * 2 + lax.axis_index("c")
    pltpu.sync_copy(idx_hbm.at[wid], idx_v)

    def start_gather(b, j):
        pltpu.async_copy(trm_hbm.at[idx_v.at[j]], rows_v.at[b], gsem.at[b])

    def wait_gather(b, j):
        pltpu.make_async_copy(
            trm_hbm.at[idx_v.at[j]], rows_v.at[b], gsem.at[b]).wait()

    def start_store(b, j):
        pltpu.async_copy(rows_v.at[b], out_hbm.at[wid, j], ssem.at[b])

    def wait_store(b, j):
        pltpu.make_async_copy(
            rows_v.at[b], out_hbm.at[wid, j], ssem.at[b]).wait()

    for j in range(G):
        start_gather(j % D, j)

    def group(g, carry):
        for b in range(D):
            j = g * D + b
            c_pre = j + G
            bp = (b + G) % D

            @pl.when(c_pre < NCH)
            def _():
                @pl.when(c_pre >= D)
                def _():
                    wait_store(bp, c_pre - D)
                start_gather(bp, c_pre)

            wait_gather(b, j)
            start_store(b, j)
        return carry

    lax.fori_loop(0, NCH // D, group, 0)

    for c in range(NCH - D, NCH):
        wait_store(c % D, c)


def kernel(x, table):
    idx = x.reshape(NW, NCH, CHUNK).astype(jnp.int32)
    out, _ = _emb_gather(idx, table)
    return out.reshape(BATCH, N_FIELDS, EMB)

# --- scband reference (transcript-rebuilt; emitter-appended) ---
"""Pipeline reference for scband-single-embedding-29343216566603 (READ-ONLY COPY).

The authoritative reference and input builder live on the scoring server;
editing this copy changes nothing except your own understanding.
"""

import jax, jax.numpy as jnp
import numpy as np

VOCAB = 1000000
EMB_DIM = 32
BATCH = 16384
N_FIELDS = 26

def setup_inputs(seed: int = 0) -> dict:
    key = jax.random.key(seed)
    k_idx, k_tab = jax.random.split(key)
    x = jax.random.randint(k_idx, (BATCH, N_FIELDS), 0, VOCAB, dtype=jnp.int64 if jax.config.jax_enable_x64 else jnp.int32)
    # nn.Embedding default init: N(0, 1)
    table = jax.random.normal(k_tab, (VOCAB, EMB_DIM), dtype=jnp.float32)
    return {"x": x, "table": table}

def reference(x, table):
    # SingleEmbedding with lastzeropad=0, no max_norm, no bn/ln/dp:
    # forward is exactly an embedding lookup; postemb is an empty Sequential.
    out = jnp.take(table, x, axis=0)  # [BATCH, N_FIELDS, EMB_DIM]
    return out

if __name__ == "__main__":
    import jax
    _d = setup_inputs()
    print(jax.jit(kernel)(*tuple(_d.values())))

</pallas_src>

<mosaic_0001>
#map = affine_map<(d0, d1) -> (0, 0, 0)>
#map1 = affine_map<(d0, d1) -> (0, 0)>
#map2 = affine_map<(d0, d1) -> (0, 0, 0, 0)>
module attributes {stable_mosaic.version = 14 : i64} {
  func.func @_emb_gather(%arg0: i32, %arg1: i32, %arg2: memref<32x104x128xi32, #tpu.memory_space<hbm>>, %arg3: memref<1000000x32xf32, #tpu.memory_space<hbm>>, %arg4: memref<32x104x128x32xf32, #tpu.memory_space<hbm>>, %arg5: memref<1000000x32xf32, #tpu.memory_space<hbm>>, %arg6: memref<104x128xi32, #tpu.memory_space<vmem>>, %arg7: memref<8x128x32xf32, #tpu.memory_space<vmem>>, %arg8: memref<8x!tpu.dma_semaphore, #tpu.memory_space<semaphore_mem>>, %arg9: memref<8x!tpu.dma_semaphore, #tpu.memory_space<semaphore_mem>>) attributes {dimension_semantics = [#tpu.dimension_semantics<core_parallel>, #tpu.dimension_semantics<subcore_parallel>], iteration_bounds = array<i64: 2, 16>, scalar_prefetch = 0 : i64, scratch_operands = 4 : i64, tpu.core_type = #tpu.core_type<sc_vector_subcore>, window_params = [{transform_indices = #map}, {transform_indices = #map1}, {transform_indices = #map2}, {transform_indices = #map1}]} {
    %mul3A = arith.constant 2 : i32
    %mul3A_0 = arith.muli %arg1, %mul3A : i32
    %add3A = arith.addi %mul3A_0, %arg0 : i32
    "tpu.region"() ({
      %run_scoped3A = tpu.sem_alloc : memref<!tpu.dma_semaphore, #tpu.memory_space<semaphore_mem>>
      %dma_start3A_232 = arith.constant 0 : i32
      %dma_start3A_233 = arith.constant 0 : i32
      %dma_start3A_234 = tpu.memref_slice %arg2[%add3A, %dma_start3A_232, %dma_start3A_233] : memref<32x104x128xi32, #tpu.memory_space<hbm>> -> memref<1x104x128xi32, #tpu.memory_space<hbm>>
      %dma_start3A_235 = tpu.memref_squeeze %dma_start3A_234 : memref<1x104x128xi32, #tpu.memory_space<hbm>> -> memref<104x128xi32, #tpu.memory_space<hbm>>
      %dma_start3A_236 = arith.constant 0 : i32
      %dma_start3A_237 = arith.constant 0 : i32
      %dma_start3A_238 = tpu.memref_slice %arg2[%add3A, %dma_start3A_236, %dma_start3A_237] : memref<32x104x128xi32, #tpu.memory_space<hbm>> -> memref<1x104x128xi32, #tpu.memory_space<hbm>>
      %dma_start3A_239 = tpu.memref_squeeze %dma_start3A_238 : memref<1x104x128xi32, #tpu.memory_space<hbm>> -> memref<104x128xi32, #tpu.memory_space<hbm>>
      tpu.enqueue_dma source(%dma_start3A_239 : memref<104x128xi32, #tpu.memory_space<hbm>>) target(%arg6 : memref<104x128xi32, #tpu.memory_space<vmem>>) target_semaphore(%run_scoped3A : memref<!tpu.dma_semaphore, #tpu.memory_space<semaphore_mem>>)
      %dma_wait3A_240 = arith.constant 0 : i32
      %dma_wait3A_241 = arith.constant 0 : i32
      %dma_wait3A_242 = tpu.memref_slice %arg2[%add3A, %dma_wait3A_240, %dma_wait3A_241] : memref<32x104x128xi32, #tpu.memory_space<hbm>> -> memref<1x104x128xi32, #tpu.memory_space<hbm>>
      %dma_wait3A_243 = tpu.memref_squeeze %dma_wait3A_242 : memref<1x104x128xi32, #tpu.memory_space<hbm>> -> memref<104x128xi32, #tpu.memory_space<hbm>>
      %dma_wait3A_244 = arith.constant 0 : i32
      %dma_wait3A_245 = arith.constant 0 : i32
      %dma_wait3A_246 = tpu.memref_slice %arg2[%add3A, %dma_wait3A_244, %dma_wait3A_245] : memref<32x104x128xi32, #tpu.memory_space<hbm>> -> memref<1x104x128xi32, #tpu.memory_space<hbm>>
      %dma_wait3A_247 = tpu.memref_squeeze %dma_wait3A_246 : memref<1x104x128xi32, #tpu.memory_space<hbm>> -> memref<104x128xi32, #tpu.memory_space<hbm>>
      tpu.wait_dma2 semaphore(%run_scoped3A : memref<!tpu.dma_semaphore, #tpu.memory_space<semaphore_mem>>) src(%dma_wait3A_247 : memref<104x128xi32, #tpu.memory_space<hbm>>) dst(%arg6 : memref<104x128xi32, #tpu.memory_space<vmem>>)
      tpu.yield
    }) : () -> ()
    %dma_start3A = arith.constant 0 : i32
    %dma_start3A_1 = arith.constant 0 : i32
    %dma_start3A_2 = arith.constant 0 : i32
    %dma_start3A_3 = arith.constant 0 : i32
    %dma_start3A_4 = arith.constant 0 : i32
    %dma_start3A_5 = tpu.memref_slice %arg7[%dma_start3A_1, %dma_start3A_3, %dma_start3A_4] : memref<8x128x32xf32, #tpu.memory_space<vmem>> -> memref<1x128x32xf32, #tpu.memory_space<vmem>>
    %dma_start3A_6 = tpu.memref_squeeze %dma_start3A_5 : memref<1x128x32xf32, #tpu.memory_space<vmem>> -> memref<128x32xf32, #tpu.memory_space<vmem>>
    %dma_start3A_7 = arith.constant 0 : i32
    %dma_start3A_8 = tpu.memref_slice %arg6[%dma_start3A, %dma_start3A_7] : memref<104x128xi32, #tpu.memory_space<vmem>> -> memref<1x128xi32, #tpu.memory_space<vmem>>
    %dma_start3A_9 = tpu.memref_squeeze %dma_start3A_8 : memref<1x128xi32, #tpu.memory_space<vmem>> -> memref<128xi32, #tpu.memory_space<vmem>>
    %dma_start3A_10 = arith.constant 0 : i32
    %dma_start3A_11 = arith.constant 0 : i32
    %dma_start3A_12 = tpu.memref_slice %arg5[%dma_start3A_10, %dma_start3A_11] : memref<1000000x32xf32, #tpu.memory_space<hbm>> -> memref<1000000x32xf32, #tpu.memory_space<hbm>>
    %dma_start3A_13 = tpu.memref_slice %arg8[%dma_start3A_2] : memref<8x!tpu.dma_semaphore, #tpu.memory_space<semaphore_mem>> -> memref<1x!tpu.dma_semaphore, #tpu.memory_space<semaphore_mem>>
    %dma_start3A_14 = tpu.memref_squeeze %dma_start3A_13 : memref<1x!tpu.dma_semaphore, #tpu.memory_space<semaphore_mem>> -> memref<!tpu.dma_semaphore, #tpu.memory_space<semaphore_mem>>
    tpu.enqueue_indirect_dma source(%dma_start3A_12 : memref<1000000x32xf32, #tpu.memory_space<hbm>>) target(%dma_start3A_6 : memref<128x32xf32, #tpu.memory_space<vmem>>) offsets(%dma_start3A_9 : memref<128xi32, #tpu.memory_space<vmem>>) semaphore(%dma_start3A_14 : memref<!tpu.dma_semaphore, #tpu.memory_space<semaphore_mem>>)
    %dma_start3A_15 = arith.constant 1 : i32
    %dma_start3A_16 = arith.constant 1 : i32
    %dma_start3A_17 = arith.constant 1 : i32
    %dma_start3A_18 = arith.constant 0 : i32
    %dma_start3A_19 = arith.constant 0 : i32
    %dma_start3A_20 = tpu.memref_slice %arg7[%dma_start3A_16, %dma_start3A_18, %dma_start3A_19] : memref<8x128x32xf32, #tpu.memory_space<vmem>> -> memref<1x128x32xf32, #tpu.memory_space<vmem>>
    %dma_start3A_21 = tpu.memref_squeeze %dma_start3A_20 : memref<1x128x32xf32, #tpu.memory_space<vmem>> -> memref<128x32xf32, #tpu.memory_space<vmem>>
    %dma_start3A_22 = arith.constant 0 : i32
    %dma_start3A_23 = tpu.memref_slice %arg6[%dma_start3A_15, %dma_start3A_22] : memref<104x128xi32, #tpu.memory_space<vmem>> -> memref<1x128xi32, #tpu.memory_space<vmem>>
    %dma_start3A_24 = tpu.memref_squeeze %dma_start3A_23 : memref<1x128xi32, #tpu.memory_space<vmem>> -> memref<128xi32, #tpu.memory_space<vmem>>
    %dma_start3A_25 = arith.constant 0 : i32
    %dma_start3A_26 = arith.constant 0 : i32
    %dma_start3A_27 = tpu.memref_slice %arg5[%dma_start3A_25, %dma_start3A_26] : memref<1000000x32xf32, #tpu.memory_space<hbm>> -> memref<1000000x32xf32, #tpu.memory_space<hbm>>
    %dma_start3A_28 = tpu.memref_slice %arg8[%dma_start3A_17] : memref<8x!tpu.dma_semaphore, #tpu.memory_space<semaphore_mem>> -> memref<1x!tpu.dma_semaphore, #tpu.memory_space<semaphore_mem>>
    %dma_start3A_29 = tpu.memref_squeeze %dma_start3A_28 : memref<1x!tpu.dma_semaphore, #tpu.memory_space<semaphore_mem>> -> memref<!tpu.dma_semaphore, #tpu.memory_space<semaphore_mem>>
    tpu.enqueue_indirect_dma source(%dma_start3A_27 : memref<1000000x32xf32, #tpu.memory_space<hbm>>) target(%dma_start3A_21 : memref<128x32xf32, #tpu.memory_space<vmem>>) offsets(%dma_start3A_24 : memref<128xi32, #tpu.memory_space<vmem>>) semaphore(%dma_start3A_29 : memref<!tpu.dma_semaphore, #tpu.memory_space<semaphore_mem>>)
    %dma_start3A_30 = arith.constant 2 : i32
    %dma_start3A_31 = arith.constant 2 : i32
    %dma_start3A_32 = arith.constant 2 : i32
    %dma_start3A_33 = arith.constant 0 : i32
    %dma_start3A_34 = arith.constant 0 : i32
    %dma_start3A_35 = tpu.memref_slice %arg7[%dma_start3A_31, %dma_start3A_33, %dma_start3A_34] : memref<8x128x32xf32, #tpu.memory_space<vmem>> -> memref<1x128x32xf32, #tpu.memory_space<vmem>>
    %dma_start3A_36 = tpu.memref_squeeze %dma_start3A_35 : memref<1x128x32xf32, #tpu.memory_space<vmem>> -> memref<128x32xf32, #tpu.memory_space<vmem>>
    %dma_start3A_37 = arith.constant 0 : i32
    %dma_start3A_38 = tpu.memref_slice %arg6[%dma_start3A_30, %dma_start3A_37] : memref<104x128xi32, #tpu.memory_space<vmem>> -> memref<1x128xi32, #tpu.memory_space<vmem>>
    %dma_start3A_39 = tpu.memref_squeeze %dma_start3A_38 : memref<1x128xi32, #tpu.memory_space<vmem>> -> memref<128xi32, #tpu.memory_space<vmem>>
    %dma_start3A_40 = arith.constant 0 : i32
    %dma_start3A_41 = arith.constant 0 : i32
    %dma_start3A_42 = tpu.memref_slice %arg5[%dma_start3A_40, %dma_start3A_41] : memref<1000000x32xf32, #tpu.memory_space<hbm>> -> memref<1000000x32xf32, #tpu.memory_space<hbm>>
    %dma_start3A_43 = tpu.memref_slice %arg8[%dma_start3A_32] : memref<8x!tpu.dma_semaphore, #tpu.memory_space<semaphore_mem>> -> memref<1x!tpu.dma_semaphore, #tpu.memory_space<semaphore_mem>>
    %dma_start3A_44 = tpu.memref_squeeze %dma_start3A_43 : memref<1x!tpu.dma_semaphore, #tpu.memory_space<semaphore_mem>> -> memref<!tpu.dma_semaphore, #tpu.memory_space<semaphore_mem>>
    tpu.enqueue_indirect_dma source(%dma_start3A_42 : memref<1000000x32xf32, #tpu.memory_space<hbm>>) target(%dma_start3A_36 : memref<128x32xf32, #tpu.memory_space<vmem>>) offsets(%dma_start3A_39 : memref<128xi32, #tpu.memory_space<vmem>>) semaphore(%dma_start3A_44 : memref<!tpu.dma_semaphore, #tpu.memory_space<semaphore_mem>>)
    %dma_start3A_45 = arith.constant 3 : i32
    %dma_start3A_46 = arith.constant 3 : i32
    %dma_start3A_47 = arith.constant 3 : i32
    %dma_start3A_48 = arith.constant 0 : i32
    %dma_start3A_49 = arith.constant 0 : i32
    %dma_start3A_50 = tpu.memref_slice %arg7[%dma_start3A_46, %dma_start3A_48, %dma_start3A_49] : memref<8x128x32xf32, #tpu.memory_space<vmem>> -> memref<1x128x32xf32, #tpu.memory_space<vmem>>
    %dma_start3A_51 = tpu.memref_squeeze %dma_start3A_50 : memref<1x128x32xf32, #tpu.memory_space<vmem>> -> memref<128x32xf32, #tpu.memory_space<vmem>>
    %dma_start3A_52 = arith.constant 0 : i32
    %dma_start3A_53 = tpu.memref_slice %arg6[%dma_start3A_45, %dma_start3A_52] : memref<104x128xi32, #tpu.memory_space<vmem>> -> memref<1x128xi32, #tpu.memory_space<vmem>>
    %dma_start3A_54 = tpu.memref_squeeze %dma_start3A_53 : memref<1x128xi32, #tpu.memory_space<vmem>> -> memref<128xi32, #tpu.memory_space<vmem>>
    %dma_start3A_55 = arith.constant 0 : i32
    %dma_start3A_56 = arith.constant 0 : i32
    %dma_start3A_57 = tpu.memref_slice %arg5[%dma_start3A_55, %dma_start3A_56] : memref<1000000x32xf32, #tpu.memory_space<hbm>> -> memref<1000000x32xf32, #tpu.memory_space<hbm>>
    %dma_start3A_58 = tpu.memref_slice %arg8[%dma_start3A_47] : memref<8x!tpu.dma_semaphore, #tpu.memory_space<semaphore_mem>> -> memref<1x!tpu.dma_semaphore, #tpu.memory_space<semaphore_mem>>
    %dma_start3A_59 = tpu.memref_squeeze %dma_start3A_58 : memref<1x!tpu.dma_semaphore, #tpu.memory_space<semaphore_mem>> -> memref<!tpu.dma_semaphore, #tpu.memory_space<semaphore_mem>>
    tpu.enqueue_indirect_dma source(%dma_start3A_57 : memref<1000000x32xf32, #tpu.memory_space<hbm>>) target(%dma_start3A_51 : memref<128x32xf32, #tpu.memory_space<vmem>>) offsets(%dma_start3A_54 : memref<128xi32, #tpu.memory_space<vmem>>) semaphore(%dma_start3A_59 : memref<!tpu.dma_semaphore, #tpu.memory_space<semaphore_mem>>)
    %scan3A = arith.constant 0 : i32
    %scan3A_60 = arith.constant 0 : i32
    %scan3A_61 = arith.constant 13 : i32
    %scan3A_62 = arith.addi %scan3A_60, %scan3A_61 : i32
    %scan3A_63 = arith.constant 1 : i32
    scf.for %scan3A_232 = %scan3A_60 to %scan3A_62 step %scan3A_63  : i32 {
      %mul3A_233 = arith.constant 8 : i32
      %mul3A_234 = arith.muli %scan3A_232, %mul3A_233 : i32
      %add3A_235 = arith.constant 0 : i32
      %add3A_236 = arith.addi %mul3A_234, %add3A_235 : i32
      %add3A_237 = arith.constant 4 : i32
      %add3A_238 = arith.addi %add3A_236, %add3A_237 : i32
      %lt3A = arith.constant 104 : i32
      %lt3A_239 = arith.cmpi slt, %add3A_238, %lt3A : i32
      %convert_element_type3A = arith.extui %lt3A_239 : i1 to i32
      %cond3A = arith.constant 0 : i32
      %cond3A_240 = arith.cmpi ne, %convert_element_type3A, %cond3A : i32
      scf.if %cond3A_240 {
        %ge3A = arith.constant 8 : i32
        %ge3A_590 = arith.cmpi sge, %add3A_238, %ge3A : i32
        %convert_element_type3A_591 = arith.extui %ge3A_590 : i1 to i32
        %cond3A_592 = arith.constant 0 : i32
        %cond3A_593 = arith.cmpi ne, %convert_element_type3A_591, %cond3A_592 : i32
        scf.if %cond3A_593 {
          %sub3A = arith.constant 8 : i32
          %sub3A_608 = arith.subi %add3A_238, %sub3A : i32
          %dma_wait3A_609 = arith.constant 4 : i32
          %dma_wait3A_610 = arith.constant 4 : i32
          %dma_wait3A_611 = arith.constant 0 : i32
          %dma_wait3A_612 = arith.constant 0 : i32
          %dma_wait3A_613 = tpu.memref_slice %arg7[%dma_wait3A_609, %dma_wait3A_611, %dma_wait3A_612] : memref<8x128x32xf32, #tpu.memory_space<vmem>> -> memref<1x128x32xf32, #tpu.memory_space<vmem>>
          %dma_wait3A_614 = tpu.memref_squeeze %dma_wait3A_613 : memref<1x128x32xf32, #tpu.memory_space<vmem>> -> memref<128x32xf32, #tpu.memory_space<vmem>>
          %dma_wait3A_615 = arith.constant 0 : i32
          %dma_wait3A_616 = arith.constant 0 : i32
          %dma_wait3A_617 = tpu.memref_slice %arg4[%add3A, %sub3A_608, %dma_wait3A_615, %dma_wait3A_616] : memref<32x104x128x32xf32, #tpu.memory_space<hbm>> -> memref<1x1x128x32xf32, #tpu.memory_space<hbm>>
          %dma_wait3A_618 = tpu.memref_squeeze %dma_wait3A_617 : memref<1x1x128x32xf32, #tpu.memory_space<hbm>> -> memref<128x32xf32, #tpu.memory_space<hbm>>
          %dma_wait3A_619 = tpu.memref_slice %arg9[%dma_wait3A_610] : memref<8x!tpu.dma_semaphore, #tpu.memory_space<semaphore_mem>> -> memref<1x!tpu.dma_semaphore, #tpu.memory_space<semaphore_mem>>
          %dma_wait3A_620 = tpu.memref_squeeze %dma_wait3A_619 : memref<1x!tpu.dma_semaphore, #tpu.memory_space<semaphore_mem>> -> memref<!tpu.dma_semaphore, #tpu.memory_space<semaphore_mem>>
          %dma_wait3A_621 = arith.constant 0 : i32
          %dma_wait3A_622 = arith.constant 0 : i32
          %dma_wait3A_623 = tpu.memref_slice %arg4[%add3A, %sub3A_608, %dma_wait3A_621, %dma_wait3A_622] : memref<32x104x128x32xf32, #tpu.memory_space<hbm>> -> memref<1x1x128x32xf32, #tpu.memory_space<hbm>>
          %dma_wait3A_624 = tpu.memref_squeeze %dma_wait3A_623 : memref<1x1x128x32xf32, #tpu.memory_space<hbm>> -> memref<128x32xf32, #tpu.memory_space<hbm>>
          %dma_wait3A_625 = arith.constant 0 : i32
          %dma_wait3A_626 = arith.constant 0 : i32
          %dma_wait3A_627 = tpu.memref_slice %arg7[%dma_wait3A_609, %dma_wait3A_625, %dma_wait3A_626] : memref<8x128x32xf32, #tpu.memory_space<vmem>> -> memref<1x128x32xf32, #tpu.memory_space<vmem>>
          %dma_wait3A_628 = tpu.memref_squeeze %dma_wait3A_627 : memref<1x128x32xf32, #tpu.memory_space<vmem>> -> memref<128x32xf32, #tpu.memory_space<vmem>>
          tpu.wait_dma2 semaphore(%dma_wait3A_620 : memref<!tpu.dma_semaphore, #tpu.memory_space<semaphore_mem>>) src(%dma_wait3A_628 : memref<128x32xf32, #tpu.memory_space<vmem>>) dst(%dma_wait3A_624 : memref<128x32xf32, #tpu.memory_space<hbm>>)
        } else {
        }
        %dma_start3A_594 = arith.constant 4 : i32
        %dma_start3A_595 = arith.constant 4 : i32
        %dma_start3A_596 = arith.constant 0 : i32
        %dma_start3A_597 = arith.constant 0 : i32
        %dma_start3A_598 = tpu.memref_slice %arg7[%dma_start3A_594, %dma_start3A_596, %dma_start3A_597] : memref<8x128x32xf32, #tpu.memory_space<vmem>> -> memref<1x128x32xf32, #tpu.memory_space<vmem>>
        %dma_start3A_599 = tpu.memref_squeeze %dma_start3A_598 : memref<1x128x32xf32, #tpu.memory_space<vmem>> -> memref<128x32xf32, #tpu.memory_space<vmem>>
        %dma_start3A_600 = arith.constant 0 : i32
        %dma_start3A_601 = tpu.memref_slice %arg6[%add3A_238, %dma_start3A_600] : memref<104x128xi32, #tpu.memory_space<vmem>> -> memref<1x128xi32, #tpu.memory_space<vmem>>
        %dma_start3A_602 = tpu.memref_squeeze %dma_start3A_601 : memref<1x128xi32, #tpu.memory_space<vmem>> -> memref<128xi32, #tpu.memory_space<vmem>>
        %dma_start3A_603 = arith.constant 0 : i32
        %dma_start3A_604 = arith.constant 0 : i32
        %dma_start3A_605 = tpu.memref_slice %arg5[%dma_start3A_603, %dma_start3A_604] : memref<1000000x32xf32, #tpu.memory_space<hbm>> -> memref<1000000x32xf32, #tpu.memory_space<hbm>>
        %dma_start3A_606 = tpu.memref_slice %arg8[%dma_start3A_595] : memref<8x!tpu.dma_semaphore, #tpu.memory_space<semaphore_mem>> -> memref<1x!tpu.dma_semaphore, #tpu.memory_space<semaphore_mem>>
        %dma_start3A_607 = tpu.memref_squeeze %dma_start3A_606 : memref<1x!tpu.dma_semaphore, #tpu.memory_space<semaphore_mem>> -> memref<!tpu.dma_semaphore, #tpu.memory_space<semaphore_mem>>
        tpu.enqueue_indirect_dma source(%dma_start3A_605 : memref<1000000x32xf32, #tpu.memory_space<hbm>>) target(%dma_start3A_599 : memref<128x32xf32, #tpu.memory_space<vmem>>) offsets(%dma_start3A_602 : memref<128xi32, #tpu.memory_space<vmem>>) semaphore(%dma_start3A_607 : memref<!tpu.dma_semaphore, #tpu.memory_space<semaphore_mem>>)
      } else {
      }
      %dma_wait3A_241 = arith.constant 0 : i32
      %dma_wait3A_242 = arith.constant 0 : i32
      %dma_wait3A_243 = arith.constant 0 : i32
      %dma_wait3A_244 = arith.constant 0 : i32
      %dma_wait3A_245 = tpu.memref_slice %arg7[%dma_wait3A_241, %dma_wait3A_243, %dma_wait3A_244] : memref<8x128x32xf32, #tpu.memory_space<vmem>> -> memref<1x128x32xf32, #tpu.memory_space<vmem>>
      %dma_wait3A_246 = tpu.memref_squeeze %dma_wait3A_245 : memref<1x128x32xf32, #tpu.memory_space<vmem>> -> memref<128x32xf32, #tpu.memory_space<vmem>>
      %dma_wait3A_247 = arith.constant 0 : i32
      %dma_wait3A_248 = tpu.memref_slice %arg6[%add3A_236, %dma_wait3A_247] : memref<104x128xi32, #tpu.memory_space<vmem>> -> memref<1x128xi32, #tpu.memory_space<vmem>>
      %dma_wait3A_249 = tpu.memref_squeeze %dma_wait3A_248 : memref<1x128xi32, #tpu.memory_space<vmem>> -> memref<128xi32, #tpu.memory_space<vmem>>
      %dma_wait3A_250 = arith.constant 0 : i32
      %dma_wait3A_251 = arith.constant 0 : i32
      %dma_wait3A_252 = tpu.memref_slice %arg5[%dma_wait3A_250, %dma_wait3A_251] : memref<1000000x32xf32, #tpu.memory_space<hbm>> -> memref<1000000x32xf32, #tpu.memory_space<hbm>>
      %dma_wait3A_253 = tpu.memref_slice %arg8[%dma_wait3A_242] : memref<8x!tpu.dma_semaphore, #tpu.memory_space<semaphore_mem>> -> memref<1x!tpu.dma_semaphore, #tpu.memory_space<semaphore_mem>>
      %dma_wait3A_254 = tpu.memref_squeeze %dma_wait3A_253 : memref<1x!tpu.dma_semaphore, #tpu.memory_space<semaphore_mem>> -> memref<!tpu.dma_semaphore, #tpu.memory_space<semaphore_mem>>
      tpu.wait_indirect_dma semaphore(%dma_wait3A_254 : memref<!tpu.dma_semaphore, #tpu.memory_space<semaphore_mem>>) src(%dma_wait3A_252 : memref<1000000x32xf32, #tpu.memory_space<hbm>>) dst(%dma_wait3A_246 : memref<128x32xf32, #tpu.memory_space<vmem>>)
      %dma_start3A_255 = arith.constant 0 : i32
      %dma_start3A_256 = arith.constant 0 : i32
      %dma_start3A_257 = arith.constant 0 : i32
      %dma_start3A_258 = arith.constant 0 : i32
      %dma_start3A_259 = tpu.memref_slice %arg7[%dma_start3A_255, %dma_start3A_257, %dma_start3A_258] : memref<8x128x32xf32, #tpu.memory_space<vmem>> -> memref<1x128x32xf32, #tpu.memory_space<vmem>>
      %dma_start3A_260 = tpu.memref_squeeze %dma_start3A_259 : memref<1x128x32xf32, #tpu.memory_space<vmem>> -> memref<128x32xf32, #tpu.memory_space<vmem>>
      %dma_start3A_261 = arith.constant 0 : i32
      %dma_start3A_262 = arith.constant 0 : i32
      %dma_start3A_263 = tpu.memref_slice %arg4[%add3A, %add3A_236, %dma_start3A_261, %dma_start3A_262] : memref<32x104x128x32xf32, #tpu.memory_space<hbm>> -> memref<1x1x128x32xf32, #tpu.memory_space<hbm>>
      %dma_start3A_264 = tpu.memref_squeeze %dma_start3A_263 : memref<1x1x128x32xf32, #tpu.memory_space<hbm>> -> memref<128x32xf32, #tpu.memory_space<hbm>>
      %dma_start3A_265 = tpu.memref_slice %arg9[%dma_start3A_256] : memref<8x!tpu.dma_semaphore, #tpu.memory_space<semaphore_mem>> -> memref<1x!tpu.dma_semaphore, #tpu.memory_space<semaphore_mem>>
      %dma_start3A_266 = tpu.memref_squeeze %dma_start3A_265 : memref<1x!tpu.dma_semaphore, #tpu.memory_space<semaphore_mem>> -> memref<!tpu.dma_semaphore, #tpu.memory_space<semaphore_mem>>
      %dma_start3A_267 = arith.constant 0 : i32
      %dma_start3A_268 = arith.constant 0 : i32
      %dma_start3A_269 = tpu.memref_slice %arg4[%add3A, %add3A_236, %dma_start3A_267, %dma_start3A_268] : memref<32x104x128x32xf32, #tpu.memory_space<hbm>> -> memref<1x1x128x32xf32, #tpu.memory_space<hbm>>
      %dma_start3A_270 = tpu.memref_squeeze %dma_start3A_269 : memref<1x1x128x32xf32, #tpu.memory_space<hbm>> -> memref<128x32xf32, #tpu.memory_space<hbm>>
      %dma_start3A_271 = arith.constant 0 : i32
      %dma_start3A_272 = arith.constant 0 : i32
      %dma_start3A_273 = tpu.memref_slice %arg7[%dma_start3A_255, %dma_start3A_271, %dma_start3A_272] : memref<8x128x32xf32, #tpu.memory_space<vmem>> -> memref<1x128x32xf32, #tpu.memory_space<vmem>>
      %dma_start3A_274 = tpu.memref_squeeze %dma_start3A_273 : memref<1x128x32xf32, #tpu.memory_space<vmem>> -> memref<128x32xf32, #tpu.memory_space<vmem>>
      tpu.enqueue_dma source(%dma_start3A_274 : memref<128x32xf32, #tpu.memory_space<vmem>>) target(%dma_start3A_270 : memref<128x32xf32, #tpu.memory_space<hbm>>) target_semaphore(%dma_start3A_266 : memref<!tpu.dma_semaphore, #tpu.memory_space<semaphore_mem>>)
      %mul3A_275 = arith.constant 8 : i32
      %mul3A_276 = arith.muli %scan3A_232, %mul3A_275 : i32
      %add3A_277 = arith.constant 1 : i32
      %add3A_278 = arith.addi %mul3A_276, %add3A_277 : i32
      %add3A_279 = arith.constant 4 : i32
      %add3A_280 = arith.addi %add3A_278, %add3A_279 : i32
      %lt3A_281 = arith.constant 104 : i32
      %lt3A_282 = arith.cmpi slt, %add3A_280, %lt3A_281 : i32
      %convert_element_type3A_283 = arith.extui %lt3A_282 : i1 to i32
      %cond3A_284 = arith.constant 0 : i32
      %cond3A_285 = arith.cmpi ne, %convert_element_type3A_283, %cond3A_284 : i32
      scf.if %cond3A_285 {
        %ge3A = arith.constant 8 : i32
        %ge3A_590 = arith.cmpi sge, %add3A_280, %ge3A : i32
        %convert_element_type3A_591 = arith.extui %ge3A_590 : i1 to i32
        %cond3A_592 = arith.constant 0 : i32
        %cond3A_593 = arith.cmpi ne, %convert_element_type3A_591, %cond3A_592 : i32
        scf.if %cond3A_593 {
          %sub3A = arith.constant 8 : i32
          %sub3A_608 = arith.subi %add3A_280, %sub3A : i32
          %dma_wait3A_609 = arith.constant 5 : i32
          %dma_wait3A_610 = arith.constant 5 : i32
          %dma_wait3A_611 = arith.constant 0 : i32
          %dma_wait3A_612 = arith.constant 0 : i32
          %dma_wait3A_613 = tpu.memref_slice %arg7[%dma_wait3A_609, %dma_wait3A_611, %dma_wait3A_612] : memref<8x128x32xf32, #tpu.memory_space<vmem>> -> memref<1x128x32xf32, #tpu.memory_space<vmem>>
          %dma_wait3A_614 = tpu.memref_squeeze %dma_wait3A_613 : memref<1x128x32xf32, #tpu.memory_space<vmem>> -> memref<128x32xf32, #tpu.memory_space<vmem>>
          %dma_wait3A_615 = arith.constant 0 : i32
          %dma_wait3A_616 = arith.constant 0 : i32
          %dma_wait3A_617 = tpu.memref_slice %arg4[%add3A, %sub3A_608, %dma_wait3A_615, %dma_wait3A_616] : memref<32x104x128x32xf32, #tpu.memory_space<hbm>> -> memref<1x1x128x32xf32, #tpu.memory_space<hbm>>
          %dma_wait3A_618 = tpu.memref_squeeze %dma_wait3A_617 : memref<1x1x128x32xf32, #tpu.memory_space<hbm>> -> memref<128x32xf32, #tpu.memory_space<hbm>>
          %dma_wait3A_619 = tpu.memref_slice %arg9[%dma_wait3A_610] : memref<8x!tpu.dma_semaphore, #tpu.memory_space<semaphore_mem>> -> memref<1x!tpu.dma_semaphore, #tpu.memory_space<semaphore_mem>>
          %dma_wait3A_620 = tpu.memref_squeeze %dma_wait3A_619 : memref<1x!tpu.dma_semaphore, #tpu.memory_space<semaphore_mem>> -> memref<!tpu.dma_semaphore, #tpu.memory_space<semaphore_mem>>
          %dma_wait3A_621 = arith.constant 0 : i32
          %dma_wait3A_622 = arith.constant 0 : i32
          %dma_wait3A_623 = tpu.memref_slice %arg4[%add3A, %sub3A_608, %dma_wait3A_621, %dma_wait3A_622] : memref<32x104x128x32xf32, #tpu.memory_space<hbm>> -> memref<1x1x128x32xf32, #tpu.memory_space<hbm>>
          %dma_wait3A_624 = tpu.memref_squeeze %dma_wait3A_623 : memref<1x1x128x32xf32, #tpu.memory_space<hbm>> -> memref<128x32xf32, #tpu.memory_space<hbm>>
          %dma_wait3A_625 = arith.constant 0 : i32
          %dma_wait3A_626 = arith.constant 0 : i32
          %dma_wait3A_627 = tpu.memref_slice %arg7[%dma_wait3A_609, %dma_wait3A_625, %dma_wait3A_626] : memref<8x128x32xf32, #tpu.memory_space<vmem>> -> memref<1x128x32xf32, #tpu.memory_space<vmem>>
          %dma_wait3A_628 = tpu.memref_squeeze %dma_wait3A_627 : memref<1x128x32xf32, #tpu.memory_space<vmem>> -> memref<128x32xf32, #tpu.memory_space<vmem>>
          tpu.wait_dma2 semaphore(%dma_wait3A_620 : memref<!tpu.dma_semaphore, #tpu.memory_space<semaphore_mem>>) src(%dma_wait3A_628 : memref<128x32xf32, #tpu.memory_space<vmem>>) dst(%dma_wait3A_624 : memref<128x32xf32, #tpu.memory_space<hbm>>)
        } else {
        }
        %dma_start3A_594 = arith.constant 5 : i32
        %dma_start3A_595 = arith.constant 5 : i32
        %dma_start3A_596 = arith.constant 0 : i32
        %dma_start3A_597 = arith.constant 0 : i32
        %dma_start3A_598 = tpu.memref_slice %arg7[%dma_start3A_594, %dma_start3A_596, %dma_start3A_597] : memref<8x128x32xf32, #tpu.memory_space<vmem>> -> memref<1x128x32xf32, #tpu.memory_space<vmem>>
        %dma_start3A_599 = tpu.memref_squeeze %dma_start3A_598 : memref<1x128x32xf32, #tpu.memory_space<vmem>> -> memref<128x32xf32, #tpu.memory_space<vmem>>
        %dma_start3A_600 = arith.constant 0 : i32
        %dma_start3A_601 = tpu.memref_slice %arg6[%add3A_280, %dma_start3A_600] : memref<104x128xi32, #tpu.memory_space<vmem>> -> memref<1x128xi32, #tpu.memory_space<vmem>>
        %dma_start3A_602 = tpu.memref_squeeze %dma_start3A_601 : memref<1x128xi32, #tpu.memory_space<vmem>> -> memref<128xi32, #tpu.memory_space<vmem>>
        %dma_start3A_603 = arith.constant 0 : i32
        %dma_start3A_604 = arith.constant 0 : i32
        %dma_start3A_605 = tpu.memref_slice %arg5[%dma_start3A_603, %dma_start3A_604] : memref<1000000x32xf32, #tpu.memory_space<hbm>> -> memref<1000000x32xf32, #tpu.memory_space<hbm>>
        %dma_start3A_606 = tpu.memref_slice %arg8[%dma_start3A_595] : memref<8x!tpu.dma_semaphore, #tpu.memory_space<semaphore_mem>> -> memref<1x!tpu.dma_semaphore, #tpu.memory_space<semaphore_mem>>
        %dma_start3A_607 = tpu.memref_squeeze %dma_start3A_606 : memref<1x!tpu.dma_semaphore, #tpu.memory_space<semaphore_mem>> -> memref<!tpu.dma_semaphore, #tpu.memory_space<semaphore_mem>>
        tpu.enqueue_indirect_dma source(%dma_start3A_605 : memref<1000000x32xf32, #tpu.memory_space<hbm>>) target(%dma_start3A_599 : memref<128x32xf32, #tpu.memory_space<vmem>>) offsets(%dma_start3A_602 : memref<128xi32, #tpu.memory_space<vmem>>) semaphore(%dma_start3A_607 : memref<!tpu.dma_semaphore, #tpu.memory_space<semaphore_mem>>)
      } else {
      }
      %dma_wait3A_286 = arith.constant 1 : i32
      %dma_wait3A_287 = arith.constant 1 : i32
      %dma_wait3A_288 = arith.constant 0 : i32
      %dma_wait3A_289 = arith.constant 0 : i32
      %dma_wait3A_290 = tpu.memref_slice %arg7[%dma_wait3A_286, %dma_wait3A_288, %dma_wait3A_289] : memref<8x128x32xf32, #tpu.memory_space<vmem>> -> memref<1x128x32xf32, #tpu.memory_space<vmem>>
      %dma_wait3A_291 = tpu.memref_squeeze %dma_wait3A_290 : memref<1x128x32xf32, #tpu.memory_space<vmem>> -> memref<128x32xf32, #tpu.memory_space<vmem>>
      %dma_wait3A_292 = arith.constant 0 : i32
      %dma_wait3A_293 = tpu.memref_slice %arg6[%add3A_278, %dma_wait3A_292] : memref<104x128xi32, #tpu.memory_space<vmem>> -> memref<1x128xi32, #tpu.memory_space<vmem>>
      %dma_wait3A_294 = tpu.memref_squeeze %dma_wait3A_293 : memref<1x128xi32, #tpu.memory_space<vmem>> -> memref<128xi32, #tpu.memory_space<vmem>>
      %dma_wait3A_295 = arith.constant 0 : i32
      %dma_wait3A_296 = arith.constant 0 : i32
      %dma_wait3A_297 = tpu.memref_slice %arg5[%dma_wait3A_295, %dma_wait3A_296] : memref<1000000x32xf32, #tpu.memory_space<hbm>> -> memref<1000000x32xf32, #tpu.memory_space<hbm>>
      %dma_wait3A_298 = tpu.memref_slice %arg8[%dma_wait3A_287] : memref<8x!tpu.dma_semaphore, #tpu.memory_space<semaphore_mem>> -> memref<1x!tpu.dma_semaphore, #tpu.memory_space<semaphore_mem>>
      %dma_wait3A_299 = tpu.memref_squeeze %dma_wait3A_298 : memref<1x!tpu.dma_semaphore, #tpu.memory_space<semaphore_mem>> -> memref<!tpu.dma_semaphore, #tpu.memory_space<semaphore_mem>>
      tpu.wait_indirect_dma semaphore(%dma_wait3A_299 : memref<!tpu.dma_semaphore, #tpu.memory_space<semaphore_mem>>) src(%dma_wait3A_297 : memref<1000000x32xf32, #tpu.memory_space<hbm>>) dst(%dma_wait3A_291 : memref<128x32xf32, #tpu.memory_space<vmem>>)
      %dma_start3A_300 = arith.constant 1 : i32
      %dma_start3A_301 = arith.constant 1 : i32
      %dma_start3A_302 = arith.constant 0 : i32
      %dma_start3A_303 = arith.constant 0 : i32
      %dma_start3A_304 = tpu.memref_slice %arg7[%dma_start3A_300, %dma_start3A_302, %dma_start3A_303] : memref<8x128x32xf32, #tpu.memory_space<vmem>> -> memref<1x128x32xf32, #tpu.memory_space<vmem>>
      %dma_start3A_305 = tpu.memref_squeeze %dma_start3A_304 : memref<1x128x32xf32, #tpu.memory_space<vmem>> -> memref<128x32xf32, #tpu.memory_space<vmem>>
      %dma_start3A_306 = arith.constant 0 : i32
      %dma_start3A_307 = arith.constant 0 : i32
      %dma_start3A_308 = tpu.memref_slice %arg4[%add3A, %add3A_278, %dma_start3A_306, %dma_start3A_307] : memref<32x104x128x32xf32, #tpu.memory_space<hbm>> -> memref<1x1x128x32xf32, #tpu.memory_space<hbm>>
      %dma_start3A_309 = tpu.memref_squeeze %dma_start3A_308 : memref<1x1x128x32xf32, #tpu.memory_space<hbm>> -> memref<128x32xf32, #tpu.memory_space<hbm>>
      %dma_start3A_310 = tpu.memref_slice %arg9[%dma_start3A_301] : memref<8x!tpu.dma_semaphore, #tpu.memory_space<semaphore_mem>> -> memref<1x!tpu.dma_semaphore, #tpu.memory_space<semaphore_mem>>
      %dma_start3A_311 = tpu.memref_squeeze %dma_start3A_310 : memref<1x!tpu.dma_semaphore, #tpu.memory_space<semaphore_mem>> -> memref<!tpu.dma_semaphore, #tpu.memory_space<semaphore_mem>>
      %dma_start3A_312 = arith.constant 0 : i32
      %dma_start3A_313 = arith.constant 0 : i32
      %dma_start3A_314 = tpu.memref_slice %arg4[%add3A, %add3A_278, %dma_start3A_312, %dma_start3A_313] : memref<32x104x128x32xf32, #tpu.memory_space<hbm>> -> memref<1x1x128x32xf32, #tpu.memory_space<hbm>>
      %dma_start3A_315 = tpu.memref_squeeze %dma_start3A_314 : memref<1x1x128x32xf32, #tpu.memory_space<hbm>> -> memref<128x32xf32, #tpu.memory_space<hbm>>
      %dma_start3A_316 = arith.constant 0 : i32
      %dma_start3A_317 = arith.constant 0 : i32
      %dma_start3A_318 = tpu.memref_slice %arg7[%dma_start3A_300, %dma_start3A_316, %dma_start3A_317] : memref<8x128x32xf32, #tpu.memory_space<vmem>> -> memref<1x128x32xf32, #tpu.memory_space<vmem>>
      %dma_start3A_319 = tpu.memref_squeeze %dma_start3A_318 : memref<1x128x32xf32, #tpu.memory_space<vmem>> -> memref<128x32xf32, #tpu.memory_space<vmem>>
      tpu.enqueue_dma source(%dma_start3A_319 : memref<128x32xf32, #tpu.memory_space<vmem>>) target(%dma_start3A_315 : memref<128x32xf32, #tpu.memory_space<hbm>>) target_semaphore(%dma_start3A_311 : memref<!tpu.dma_semaphore, #tpu.memory_space<semaphore_mem>>)
      %mul3A_320 = arith.constant 8 : i32
      %mul3A_321 = arith.muli %scan3A_232, %mul3A_320 : i32
      %add3A_322 = arith.constant 2 : i32
      %add3A_323 = arith.addi %mul3A_321, %add3A_322 : i32
      %add3A_324 = arith.constant 4 : i32
      %add3A_325 = arith.addi %add3A_323, %add3A_324 : i32
      %lt3A_326 = arith.constant 104 : i32
      %lt3A_327 = arith.cmpi slt, %add3A_325, %lt3A_326 : i32
      %convert_element_type3A_328 = arith.extui %lt3A_327 : i1 to i32
      %cond3A_329 = arith.constant 0 : i32
      %cond3A_330 = arith.cmpi ne, %convert_element_type3A_328, %cond3A_329 : i32
      scf.if %cond3A_330 {
        %ge3A = arith.constant 8 : i32
        %ge3A_590 = arith.cmpi sge, %add3A_325, %ge3A : i32
        %convert_element_type3A_591 = arith.extui %ge3A_590 : i1 to i32
        %cond3A_592 = arith.constant 0 : i32
        %cond3A_593 = arith.cmpi ne, %convert_element_type3A_591, %cond3A_592 : i32
        scf.if %cond3A_593 {
          %sub3A = arith.constant 8 : i32
          %sub3A_608 = arith.subi %add3A_325, %sub3A : i32
          %dma_wait3A_609 = arith.constant 6 : i32
          %dma_wait3A_610 = arith.constant 6 : i32
          %dma_wait3A_611 = arith.constant 0 : i32
          %dma_wait3A_612 = arith.constant 0 : i32
          %dma_wait3A_613 = tpu.memref_slice %arg7[%dma_wait3A_609, %dma_wait3A_611, %dma_wait3A_612] : memref<8x128x32xf32, #tpu.memory_space<vmem>> -> memref<1x128x32xf32, #tpu.memory_space<vmem>>
          %dma_wait3A_614 = tpu.memref_squeeze %dma_wait3A_613 : memref<1x128x32xf32, #tpu.memory_space<vmem>> -> memref<128x32xf32, #tpu.memory_space<vmem>>
          %dma_wait3A_615 = arith.constant 0 : i32
          %dma_wait3A_616 = arith.constant 0 : i32
          %dma_wait3A_617 = tpu.memref_slice %arg4[%add3A, %sub3A_608, %dma_wait3A_615, %dma_wait3A_616] : memref<32x104x128x32xf32, #tpu.memory_space<hbm>> -> memref<1x1x128x32xf32, #tpu.memory_space<hbm>>
          %dma_wait3A_618 = tpu.memref_squeeze %dma_wait3A_617 : memref<1x1x128x32xf32, #tpu.memory_space<hbm>> -> memref<128x32xf32, #tpu.memory_space<hbm>>
          %dma_wait3A_619 = tpu.memref_slice %arg9[%dma_wait3A_610] : memref<8x!tpu.dma_semaphore, #tpu.memory_space<semaphore_mem>> -> memref<1x!tpu.dma_semaphore, #tpu.memory_space<semaphore_mem>>
          %dma_wait3A_620 = tpu.memref_squeeze %dma_wait3A_619 : memref<1x!tpu.dma_semaphore, #tpu.memory_space<semaphore_mem>> -> memref<!tpu.dma_semaphore, #tpu.memory_space<semaphore_mem>>
          %dma_wait3A_621 = arith.constant 0 : i32
          %dma_wait3A_622 = arith.constant 0 : i32
          %dma_wait3A_623 = tpu.memref_slice %arg4[%add3A, %sub3A_608, %dma_wait3A_621, %dma_wait3A_622] : memref<32x104x128x32xf32, #tpu.memory_space<hbm>> -> memref<1x1x128x32xf32, #tpu.memory_space<hbm>>
          %dma_wait3A_624 = tpu.memref_squeeze %dma_wait3A_623 : memref<1x1x128x32xf32, #tpu.memory_space<hbm>> -> memref<128x32xf32, #tpu.memory_space<hbm>>
          %dma_wait3A_625 = arith.constant 0 : i32
          %dma_wait3A_626 = arith.constant 0 : i32
          %dma_wait3A_627 = tpu.memref_slice %arg7[%dma_wait3A_609, %dma_wait3A_625, %dma_wait3A_626] : memref<8x128x32xf32, #tpu.memory_space<vmem>> -> memref<1x128x32xf32, #tpu.memory_space<vmem>>
          %dma_wait3A_628 = tpu.memref_squeeze %dma_wait3A_627 : memref<1x128x32xf32, #tpu.memory_space<vmem>> -> memref<128x32xf32, #tpu.memory_space<vmem>>
          tpu.wait_dma2 semaphore(%dma_wait3A_620 : memref<!tpu.dma_semaphore, #tpu.memory_space<semaphore_mem>>) src(%dma_wait3A_628 : memref<128x32xf32, #tpu.memory_space<vmem>>) dst(%dma_wait3A_624 : memref<128x32xf32, #tpu.memory_space<hbm>>)
        } else {
        }
        %dma_start3A_594 = arith.constant 6 : i32
        %dma_start3A_595 = arith.constant 6 : i32
        %dma_start3A_596 = arith.constant 0 : i32
        %dma_start3A_597 = arith.constant 0 : i32
        %dma_start3A_598 = tpu.memref_slice %arg7[%dma_start3A_594, %dma_start3A_596, %dma_start3A_597] : memref<8x128x32xf32, #tpu.memory_space<vmem>> -> memref<1x128x32xf32, #tpu.memory_space<vmem>>
        %dma_start3A_599 = tpu.memref_squeeze %dma_start3A_598 : memref<1x128x32xf32, #tpu.memory_space<vmem>> -> memref<128x32xf32, #tpu.memory_space<vmem>>
        %dma_start3A_600 = arith.constant 0 : i32
        %dma_start3A_601 = tpu.memref_slice %arg6[%add3A_325, %dma_start3A_600] : memref<104x128xi32, #tpu.memory_space<vmem>> -> memref<1x128xi32, #tpu.memory_space<vmem>>
        %dma_start3A_602 = tpu.memref_squeeze %dma_start3A_601 : memref<1x128xi32, #tpu.memory_space<vmem>> -> memref<128xi32, #tpu.memory_space<vmem>>
        %dma_start3A_603 = arith.constant 0 : i32
        %dma_start3A_604 = arith.constant 0 : i32
        %dma_start3A_605 = tpu.memref_slice %arg5[%dma_start3A_603, %dma_start3A_604] : memref<1000000x32xf32, #tpu.memory_space<hbm>> -> memref<1000000x32xf32, #tpu.memory_space<hbm>>
        %dma_start3A_606 = tpu.memref_slice %arg8[%dma_start3A_595] : memref<8x!tpu.dma_semaphore, #tpu.memory_space<semaphore_mem>> -> memref<1x!tpu.dma_semaphore, #tpu.memory_space<semaphore_mem>>
        %dma_start3A_607 = tpu.memref_squeeze %dma_start3A_606 : memref<1x!tpu.dma_semaphore, #tpu.memory_space<semaphore_mem>> -> memref<!tpu.dma_semaphore, #tpu.memory_space<semaphore_mem>>
        tpu.enqueue_indirect_dma source(%dma_start3A_605 : memref<1000000x32xf32, #tpu.memory_space<hbm>>) target(%dma_start3A_599 : memref<128x32xf32, #tpu.memory_space<vmem>>) offsets(%dma_start3A_602 : memref<128xi32, #tpu.memory_space<vmem>>) semaphore(%dma_start3A_607 : memref<!tpu.dma_semaphore, #tpu.memory_space<semaphore_mem>>)
      } else {
      }
      %dma_wait3A_331 = arith.constant 2 : i32
      %dma_wait3A_332 = arith.constant 2 : i32
      %dma_wait3A_333 = arith.constant 0 : i32
      %dma_wait3A_334 = arith.constant 0 : i32
      %dma_wait3A_335 = tpu.memref_slice %arg7[%dma_wait3A_331, %dma_wait3A_333, %dma_wait3A_334] : memref<8x128x32xf32, #tpu.memory_space<vmem>> -> memref<1x128x32xf32, #tpu.memory_space<vmem>>
      %dma_wait3A_336 = tpu.memref_squeeze %dma_wait3A_335 : memref<1x128x32xf32, #tpu.memory_space<vmem>> -> memref<128x32xf32, #tpu.memory_space<vmem>>
      %dma_wait3A_337 = arith.constant 0 : i32
      %dma_wait3A_338 = tpu.memref_slice %arg6[%add3A_323, %dma_wait3A_337] : memref<104x128xi32, #tpu.memory_space<vmem>> -> memref<1x128xi32, #tpu.memory_space<vmem>>
      %dma_wait3A_339 = tpu.memref_squeeze %dma_wait3A_338 : memref<1x128xi32, #tpu.memory_space<vmem>> -> memref<128xi32, #tpu.memory_space<vmem>>
      %dma_wait3A_340 = arith.constant 0 : i32
      %dma_wait3A_341 = arith.constant 0 : i32
      %dma_wait3A_342 = tpu.memref_slice %arg5[%dma_wait3A_340, %dma_wait3A_341] : memref<1000000x32xf32, #tpu.memory_space<hbm>> -> memref<1000000x32xf32, #tpu.memory_space<hbm>>
      %dma_wait3A_343 = tpu.memref_slice %arg8[%dma_wait3A_332] : memref<8x!tpu.dma_semaphore, #tpu.memory_space<semaphore_mem>> -> memref<1x!tpu.dma_semaphore, #tpu.memory_space<semaphore_mem>>
      %dma_wait3A_344 = tpu.memref_squeeze %dma_wait3A_343 : memref<1x!tpu.dma_semaphore, #tpu.memory_space<semaphore_mem>> -> memref<!tpu.dma_semaphore, #tpu.memory_space<semaphore_mem>>
      tpu.wait_indirect_dma semaphore(%dma_wait3A_344 : memref<!tpu.dma_semaphore, #tpu.memory_space<semaphore_mem>>) src(%dma_wait3A_342 : memref<1000000x32xf32, #tpu.memory_space<hbm>>) dst(%dma_wait3A_336 : memref<128x32xf32, #tpu.memory_space<vmem>>)
      %dma_start3A_345 = arith.constant 2 : i32
      %dma_start3A_346 = arith.constant 2 : i32
      %dma_start3A_347 = arith.constant 0 : i32
      %dma_start3A_348 = arith.constant 0 : i32
      %dma_start3A_349 = tpu.memref_slice %arg7[%dma_start3A_345, %dma_start3A_347, %dma_start3A_348] : memref<8x128x32xf32, #tpu.memory_space<vmem>> -> memref<1x128x32xf32, #tpu.memory_space<vmem>>
      %dma_start3A_350 = tpu.memref_squeeze %dma_start3A_349 : memref<1x128x32xf32, #tpu.memory_space<vmem>> -> memref<128x32xf32, #tpu.memory_space<vmem>>
      %dma_start3A_351 = arith.constant 0 : i32
      %dma_start3A_352 = arith.constant 0 : i32
      %dma_start3A_353 = tpu.memref_slice %arg4[%add3A, %add3A_323, %dma_start3A_351, %dma_start3A_352] : memref<32x104x128x32xf32, #tpu.memory_space<hbm>> -> memref<1x1x128x32xf32, #tpu.memory_space<hbm>>
      %dma_start3A_354 = tpu.memref_squeeze %dma_start3A_353 : memref<1x1x128x32xf32, #tpu.memory_space<hbm>> -> memref<128x32xf32, #tpu.memory_space<hbm>>
      %dma_start3A_355 = tpu.memref_slice %arg9[%dma_start3A_346] : memref<8x!tpu.dma_semaphore, #tpu.memory_space<semaphore_mem>> -> memref<1x!tpu.dma_semaphore, #tpu.memory_space<semaphore_mem>>
      %dma_start3A_356 = tpu.memref_squeeze %dma_start3A_355 : memref<1x!tpu.dma_semaphore, #tpu.memory_space<semaphore_mem>> -> memref<!tpu.dma_semaphore, #tpu.memory_space<semaphore_mem>>
      %dma_start3A_357 = arith.constant 0 : i32
      %dma_start3A_358 = arith.constant 0 : i32
      %dma_start3A_359 = tpu.memref_slice %arg4[%add3A, %add3A_323, %dma_start3A_357, %dma_start3A_358] : memref<32x104x128x32xf32, #tpu.memory_space<hbm>> -> memref<1x1x128x32xf32, #tpu.memory_space<hbm>>
      %dma_start3A_360 = tpu.memref_squeeze %dma_start3A_359 : memref<1x1x128x32xf32, #tpu.memory_space<hbm>> -> memref<128x32xf32, #tpu.memory_space<hbm>>
      %dma_start3A_361 = arith.constant 0 : i32
      %dma_start3A_362 = arith.constant 0 : i32
      %dma_start3A_363 = tpu.memref_slice %arg7[%dma_start3A_345, %dma_start3A_361, %dma_start3A_362] : memref<8x128x32xf32, #tpu.memory_space<vmem>> -> memref<1x128x32xf32, #tpu.memory_space<vmem>>
      %dma_start3A_364 = tpu.memref_squeeze %dma_start3A_363 : memref<1x128x32xf32, #tpu.memory_space<vmem>> -> memref<128x32xf32, #tpu.memory_space<vmem>>
      tpu.enqueue_dma source(%dma_start3A_364 : memref<128x32xf32, #tpu.memory_space<vmem>>) target(%dma_start3A_360 : memref<128x32xf32, #tpu.memory_space<hbm>>) target_semaphore(%dma_start3A_356 : memref<!tpu.dma_semaphore, #tpu.memory_space<semaphore_mem>>)
      %mul3A_365 = arith.constant 8 : i32
      %mul3A_366 = arith.muli %scan3A_232, %mul3A_365 : i32
      %add3A_367 = arith.constant 3 : i32
      %add3A_368 = arith.addi %mul3A_366, %add3A_367 : i32
      %add3A_369 = arith.constant 4 : i32
      %add3A_370 = arith.addi %add3A_368, %add3A_369 : i32
      %lt3A_371 = arith.constant 104 : i32
      %lt3A_372 = arith.cmpi slt, %add3A_370, %lt3A_371 : i32
      %convert_element_type3A_373 = arith.extui %lt3A_372 : i1 to i32
      %cond3A_374 = arith.constant 0 : i32
      %cond3A_375 = arith.cmpi ne, %convert_element_type3A_373, %cond3A_374 : i32
      scf.if %cond3A_375 {
        %ge3A = arith.constant 8 : i32
        %ge3A_590 = arith.cmpi sge, %add3A_370, %ge3A : i32
        %convert_element_type3A_591 = arith.extui %ge3A_590 : i1 to i32
        %cond3A_592 = arith.constant 0 : i32
        %cond3A_593 = arith.cmpi ne, %convert_element_type3A_591, %cond3A_592 : i32
        scf.if %cond3A_593 {
          %sub3A = arith.constant 8 : i32
          %sub3A_608 = arith.subi %add3A_370, %sub3A : i32
          %dma_wait3A_609 = arith.constant 7 : i32
          %dma_wait3A_610 = arith.constant 7 : i32
          %dma_wait3A_611 = arith.constant 0 : i32
          %dma_wait3A_612 = arith.constant 0 : i32
          %dma_wait3A_613 = tpu.memref_slice %arg7[%dma_wait3A_609, %dma_wait3A_611, %dma_wait3A_612] : memref<8x128x32xf32, #tpu.memory_space<vmem>> -> memref<1x128x32xf32, #tpu.memory_space<vmem>>
          %dma_wait3A_614 = tpu.memref_squeeze %dma_wait3A_613 : memref<1x128x32xf32, #tpu.memory_space<vmem>> -> memref<128x32xf32, #tpu.memory_space<vmem>>
          %dma_wait3A_615 = arith.constant 0 : i32
          %dma_wait3A_616 = arith.constant 0 : i32
          %dma_wait3A_617 = tpu.memref_slice %arg4[%add3A, %sub3A_608, %dma_wait3A_615, %dma_wait3A_616] : memref<32x104x128x32xf32, #tpu.memory_space<hbm>> -> memref<1x1x128x32xf32, #tpu.memory_space<hbm>>
          %dma_wait3A_618 = tpu.memref_squeeze %dma_wait3A_617 : memref<1x1x128x32xf32, #tpu.memory_space<hbm>> -> memref<128x32xf32, #tpu.memory_space<hbm>>
          %dma_wait3A_619 = tpu.memref_slice %arg9[%dma_wait3A_610] : memref<8x!tpu.dma_semaphore, #tpu.memory_space<semaphore_mem>> -> memref<1x!tpu.dma_semaphore, #tpu.memory_space<semaphore_mem>>
          %dma_wait3A_620 = tpu.memref_squeeze %dma_wait3A_619 : memref<1x!tpu.dma_semaphore, #tpu.memory_space<semaphore_mem>> -> memref<!tpu.dma_semaphore, #tpu.memory_space<semaphore_mem>>
          %dma_wait3A_621 = arith.constant 0 : i32
          %dma_wait3A_622 = arith.constant 0 : i32
          %dma_wait3A_623 = tpu.memref_slice %arg4[%add3A, %sub3A_608, %dma_wait3A_621, %dma_wait3A_622] : memref<32x104x128x32xf32, #tpu.memory_space<hbm>> -> memref<1x1x128x32xf32, #tpu.memory_space<hbm>>
          %dma_wait3A_624 = tpu.memref_squeeze %dma_wait3A_623 : memref<1x1x128x32xf32, #tpu.memory_space<hbm>> -> memref<128x32xf32, #tpu.memory_space<hbm>>
          %dma_wait3A_625 = arith.constant 0 : i32
          %dma_wait3A_626 = arith.constant 0 : i32
          %dma_wait3A_627 = tpu.memref_slice %arg7[%dma_wait3A_609, %dma_wait3A_625, %dma_wait3A_626] : memref<8x128x32xf32, #tpu.memory_space<vmem>> -> memref<1x128x32xf32, #tpu.memory_space<vmem>>
          %dma_wait3A_628 = tpu.memref_squeeze %dma_wait3A_627 : memref<1x128x32xf32, #tpu.memory_space<vmem>> -> memref<128x32xf32, #tpu.memory_space<vmem>>
          tpu.wait_dma2 semaphore(%dma_wait3A_620 : memref<!tpu.dma_semaphore, #tpu.memory_space<semaphore_mem>>) src(%dma_wait3A_628 : memref<128x32xf32, #tpu.memory_space<vmem>>) dst(%dma_wait3A_624 : memref<128x32xf32, #tpu.memory_space<hbm>>)
        } else {
        }
        %dma_start3A_594 = arith.constant 7 : i32
        %dma_start3A_595 = arith.constant 7 : i32
        %dma_start3A_596 = arith.constant 0 : i32
        %dma_start3A_597 = arith.constant 0 : i32
        %dma_start3A_598 = tpu.memref_slice %arg7[%dma_start3A_594, %dma_start3A_596, %dma_start3A_597] : memref<8x128x32xf32, #tpu.memory_space<vmem>> -> memref<1x128x32xf32, #tpu.memory_space<vmem>>
        %dma_start3A_599 = tpu.memref_squeeze %dma_start3A_598 : memref<1x128x32xf32, #tpu.memory_space<vmem>> -> memref<128x32xf32, #tpu.memory_space<vmem>>
        %dma_start3A_600 = arith.constant 0 : i32
        %dma_start3A_601 = tpu.memref_slice %arg6[%add3A_370, %dma_start3A_600] : memref<104x128xi32, #tpu.memory_space<vmem>> -> memref<1x128xi32, #tpu.memory_space<vmem>>
        %dma_start3A_602 = tpu.memref_squeeze %dma_start3A_601 : memref<1x128xi32, #tpu.memory_space<vmem>> -> memref<128xi32, #tpu.memory_space<vmem>>
        %dma_start3A_603 = arith.constant 0 : i32
        %dma_start3A_604 = arith.constant 0 : i32
        %dma_start3A_605 = tpu.memref_slice %arg5[%dma_start3A_603, %dma_start3A_604] : memref<1000000x32xf32, #tpu.memory_space<hbm>> -> memref<1000000x32xf32, #tpu.memory_space<hbm>>
        %dma_start3A_606 = tpu.memref_slice %arg8[%dma_start3A_595] : memref<8x!tpu.dma_semaphore, #tpu.memory_space<semaphore_mem>> -> memref<1x!tpu.dma_semaphore, #tpu.memory_space<semaphore_mem>>
        %dma_start3A_607 = tpu.memref_squeeze %dma_start3A_606 : memref<1x!tpu.dma_semaphore, #tpu.memory_space<semaphore_mem>> -> memref<!tpu.dma_semaphore, #tpu.memory_space<semaphore_mem>>
        tpu.enqueue_indirect_dma source(%dma_start3A_605 : memref<1000000x32xf32, #tpu.memory_space<hbm>>) target(%dma_start3A_599 : memref<128x32xf32, #tpu.memory_space<vmem>>) offsets(%dma_start3A_602 : memref<128xi32, #tpu.memory_space<vmem>>) semaphore(%dma_start3A_607 : memref<!tpu.dma_semaphore, #tpu.memory_space<semaphore_mem>>)
      } else {
      }
      %dma_wait3A_376 = arith.constant 3 : i32
      %dma_wait3A_377 = arith.constant 3 : i32
      %dma_wait3A_378 = arith.constant 0 : i32
      %dma_wait3A_379 = arith.constant 0 : i32
      %dma_wait3A_380 = tpu.memref_slice %arg7[%dma_wait3A_376, %dma_wait3A_378, %dma_wait3A_379] : memref<8x128x32xf32, #tpu.memory_space<vmem>> -> memref<1x128x32xf32, #tpu.memory_space<vmem>>
      %dma_wait3A_381 = tpu.memref_squeeze %dma_wait3A_380 : memref<1x128x32xf32, #tpu.memory_space<vmem>> -> memref<128x32xf32, #tpu.memory_space<vmem>>
      %dma_wait3A_382 = arith.constant 0 : i32
      %dma_wait3A_383 = tpu.memref_slice %arg6[%add3A_368, %dma_wait3A_382] : memref<104x128xi32, #tpu.memory_space<vmem>> -> memref<1x128xi32, #tpu.memory_space<vmem>>
      %dma_wait3A_384 = tpu.memref_squeeze %dma_wait3A_383 : memref<1x128xi32, #tpu.memory_space<vmem>> -> memref<128xi32, #tpu.memory_space<vmem>>
      %dma_wait3A_385 = arith.constant 0 : i32
      %dma_wait3A_386 = arith.constant 0 : i32
      %dma_wait3A_387 = tpu.memref_slice %arg5[%dma_wait3A_385, %dma_wait3A_386] : memref<1000000x32xf32, #tpu.memory_space<hbm>> -> memref<1000000x32xf32, #tpu.memory_space<hbm>>
      %dma_wait3A_388 = tpu.memref_slice %arg8[%dma_wait3A_377] : memref<8x!tpu.dma_semaphore, #tpu.memory_space<semaphore_mem>> -> memref<1x!tpu.dma_semaphore, #tpu.memory_space<semaphore_mem>>
      %dma_wait3A_389 = tpu.memref_squeeze %dma_wait3A_388 : memref<1x!tpu.dma_semaphore, #tpu.memory_space<semaphore_mem>> -> memref<!tpu.dma_semaphore, #tpu.memory_space<semaphore_mem>>
      tpu.wait_indirect_dma semaphore(%dma_wait3A_389 : memref<!tpu.dma_semaphore, #tpu.memory_space<semaphore_mem>>) src(%dma_wait3A_387 : memref<1000000x32xf32, #tpu.memory_space<hbm>>) dst(%dma_wait3A_381 : memref<128x32xf32, #tpu.memory_space<vmem>>)
      %dma_start3A_390 = arith.constant 3 : i32
      %dma_start3A_391 = arith.constant 3 : i32
      %dma_start3A_392 = arith.constant 0 : i32
      %dma_start3A_393 = arith.constant 0 : i32
      %dma_start3A_394 = tpu.memref_slice %arg7[%dma_start3A_390, %dma_start3A_392, %dma_start3A_393] : memref<8x128x32xf32, #tpu.memory_space<vmem>> -> memref<1x128x32xf32, #tpu.memory_space<vmem>>
      %dma_start3A_395 = tpu.memref_squeeze %dma_start3A_394 : memref<1x128x32xf32, #tpu.memory_space<vmem>> -> memref<128x32xf32, #tpu.memory_space<vmem>>
      %dma_start3A_396 = arith.constant 0 : i32
      %dma_start3A_397 = arith.constant 0 : i32
      %dma_start3A_398 = tpu.memref_slice %arg4[%add3A, %add3A_368, %dma_start3A_396, %dma_start3A_397] : memref<32x104x128x32xf32, #tpu.memory_space<hbm>> -> memref<1x1x128x32xf32, #tpu.memory_space<hbm>>
      %dma_start3A_399 = tpu.memref_squeeze %dma_start3A_398 : memref<1x1x128x32xf32, #tpu.memory_space<hbm>> -> memref<128x32xf32, #tpu.memory_space<hbm>>
      %dma_start3A_400 = tpu.memref_slice %arg9[%dma_start3A_391] : memref<8x!tpu.dma_semaphore, #tpu.memory_space<semaphore_mem>> -> memref<1x!tpu.dma_semaphore, #tpu.memory_space<semaphore_mem>>
      %dma_start3A_401 = tpu.memref_squeeze %dma_start3A_400 : memref<1x!tpu.dma_semaphore, #tpu.memory_space<semaphore_mem>> -> memref<!tpu.dma_semaphore, #tpu.memory_space<semaphore_mem>>
      %dma_start3A_402 = arith.constant 0 : i32
      %dma_start3A_403 = arith.constant 0 : i32
      %dma_start3A_404 = tpu.memref_slice %arg4[%add3A, %add3A_368, %dma_start3A_402, %dma_start3A_403] : memref<32x104x128x32xf32, #tpu.memory_space<hbm>> -> memref<1x1x128x32xf32, #tpu.memory_space<hbm>>
      %dma_start3A_405 = tpu.memref_squeeze %dma_start3A_404 : memref<1x1x128x32xf32, #tpu.memory_space<hbm>> -> memref<128x32xf32, #tpu.memory_space<hbm>>
      %dma_start3A_406 = arith.constant 0 : i32
      %dma_start3A_407 = arith.constant 0 : i32
      %dma_start3A_408 = tpu.memref_slice %arg7[%dma_start3A_390, %dma_start3A_406, %dma_start3A_407] : memref<8x128x32xf32, #tpu.memory_space<vmem>> -> memref<1x128x32xf32, #tpu.memory_space<vmem>>
      %dma_start3A_409 = tpu.memref_squeeze %dma_start3A_408 : memref<1x128x32xf32, #tpu.memory_space<vmem>> -> memref<128x32xf32, #tpu.memory_space<vmem>>
      tpu.enqueue_dma source(%dma_start3A_409 : memref<128x32xf32, #tpu.memory_space<vmem>>) target(%dma_start3A_405 : memref<128x32xf32, #tpu.memory_space<hbm>>) target_semaphore(%dma_start3A_401 : memref<!tpu.dma_semaphore, #tpu.memory_space<semaphore_mem>>)
      %mul3A_410 = arith.constant 8 : i32
      %mul3A_411 = arith.muli %scan3A_232, %mul3A_410 : i32
      %add3A_412 = arith.constant 4 : i32
      %add3A_413 = arith.addi %mul3A_411, %add3A_412 : i32
      %add3A_414 = arith.constant 4 : i32
      %add3A_415 = arith.addi %add3A_413, %add3A_414 : i32
      %lt3A_416 = arith.constant 104 : i32
      %lt3A_417 = arith.cmpi slt, %add3A_415, %lt3A_416 : i32
      %convert_element_type3A_418 = arith.extui %lt3A_417 : i1 to i32
      %cond3A_419 = arith.constant 0 : i32
      %cond3A_420 = arith.cmpi ne, %convert_element_type3A_418, %cond3A_419 : i32
      scf.if %cond3A_420 {
        %ge3A = arith.constant 8 : i32
        %ge3A_590 = arith.cmpi sge, %add3A_415, %ge3A : i32
        %convert_element_type3A_591 = arith.extui %ge3A_590 : i1 to i32
        %cond3A_592 = arith.constant 0 : i32
        %cond3A_593 = arith.cmpi ne, %convert_element_type3A_591, %cond3A_592 : i32
        scf.if %cond3A_593 {
          %sub3A = arith.constant 8 : i32
          %sub3A_608 = arith.subi %add3A_415, %sub3A : i32
          %dma_wait3A_609 = arith.constant 0 : i32
          %dma_wait3A_610 = arith.constant 0 : i32
          %dma_wait3A_611 = arith.constant 0 : i32
          %dma_wait3A_612 = arith.constant 0 : i32
          %dma_wait3A_613 = tpu.memref_slice %arg7[%dma_wait3A_609, %dma_wait3A_611, %dma_wait3A_612] : memref<8x128x32xf32, #tpu.memory_space<vmem>> -> memref<1x128x32xf32, #tpu.memory_space<vmem>>
          %dma_wait3A_614 = tpu.memref_squeeze %dma_wait3A_613 : memref<1x128x32xf32, #tpu.memory_space<vmem>> -> memref<128x32xf32, #tpu.memory_space<vmem>>
          %dma_wait3A_615 = arith.constant 0 : i32
          %dma_wait3A_616 = arith.constant 0 : i32
          %dma_wait3A_617 = tpu.memref_slice %arg4[%add3A, %sub3A_608, %dma_wait3A_615, %dma_wait3A_616] : memref<32x104x128x32xf32, #tpu.memory_space<hbm>> -> memref<1x1x128x32xf32, #tpu.memory_space<hbm>>
          %dma_wait3A_618 = tpu.memref_squeeze %dma_wait3A_617 : memref<1x1x128x32xf32, #tpu.memory_space<hbm>> -> memref<128x32xf32, #tpu.memory_space<hbm>>
          %dma_wait3A_619 = tpu.memref_slice %arg9[%dma_wait3A_610] : memref<8x!tpu.dma_semaphore, #tpu.memory_space<semaphore_mem>> -> memref<1x!tpu.dma_semaphore, #tpu.memory_space<semaphore_mem>>
          %dma_wait3A_620 = tpu.memref_squeeze %dma_wait3A_619 : memref<1x!tpu.dma_semaphore, #tpu.memory_space<semaphore_mem>> -> memref<!tpu.dma_semaphore, #tpu.memory_space<semaphore_mem>>
          %dma_wait3A_621 = arith.constant 0 : i32
          %dma_wait3A_622 = arith.constant 0 : i32
          %dma_wait3A_623 = tpu.memref_slice %arg4[%add3A, %sub3A_608, %dma_wait3A_621, %dma_wait3A_622] : memref<32x104x128x32xf32, #tpu.memory_space<hbm>> -> memref<1x1x128x32xf32, #tpu.memory_space<hbm>>
          %dma_wait3A_624 = tpu.memref_squeeze %dma_wait3A_623 : memref<1x1x128x32xf32, #tpu.memory_space<hbm>> -> memref<128x32xf32, #tpu.memory_space<hbm>>
          %dma_wait3A_625 = arith.constant 0 : i32
          %dma_wait3A_626 = arith.constant 0 : i32
          %dma_wait3A_627 = tpu.memref_slice %arg7[%dma_wait3A_609, %dma_wait3A_625, %dma_wait3A_626] : memref<8x128x32xf32, #tpu.memory_space<vmem>> -> memref<1x128x32xf32, #tpu.memory_space<vmem>>
          %dma_wait3A_628 = tpu.memref_squeeze %dma_wait3A_627 : memref<1x128x32xf32, #tpu.memory_space<vmem>> -> memref<128x32xf32, #tpu.memory_space<vmem>>
          tpu.wait_dma2 semaphore(%dma_wait3A_620 : memref<!tpu.dma_semaphore, #tpu.memory_space<semaphore_mem>>) src(%dma_wait3A_628 : memref<128x32xf32, #tpu.memory_space<vmem>>) dst(%dma_wait3A_624 : memref<128x32xf32, #tpu.memory_space<hbm>>)
        } else {
        }
        %dma_start3A_594 = arith.constant 0 : i32
        %dma_start3A_595 = arith.constant 0 : i32
        %dma_start3A_596 = arith.constant 0 : i32
        %dma_start3A_597 = arith.constant 0 : i32
        %dma_start3A_598 = tpu.memref_slice %arg7[%dma_start3A_594, %dma_start3A_596, %dma_start3A_597] : memref<8x128x32xf32, #tpu.memory_space<vmem>> -> memref<1x128x32xf32, #tpu.memory_space<vmem>>
        %dma_start3A_599 = tpu.memref_squeeze %dma_start3A_598 : memref<1x128x32xf32, #tpu.memory_space<vmem>> -> memref<128x32xf32, #tpu.memory_space<vmem>>
        %dma_start3A_600 = arith.constant 0 : i32
        %dma_start3A_601 = tpu.memref_slice %arg6[%add3A_415, %dma_start3A_600] : memref<104x128xi32, #tpu.memory_space<vmem>> -> memref<1x128xi32, #tpu.memory_space<vmem>>
        %dma_start3A_602 = tpu.memref_squeeze %dma_start3A_601 : memref<1x128xi32, #tpu.memory_space<vmem>> -> memref<128xi32, #tpu.memory_space<vmem>>
        %dma_start3A_603 = arith.constant 0 : i32
        %dma_start3A_604 = arith.constant 0 : i32
        %dma_start3A_605 = tpu.memref_slice %arg5[%dma_start3A_603, %dma_start3A_604] : memref<1000000x32xf32, #tpu.memory_space<hbm>> -> memref<1000000x32xf32, #tpu.memory_space<hbm>>
        %dma_start3A_606 = tpu.memref_slice %arg8[%dma_start3A_595] : memref<8x!tpu.dma_semaphore, #tpu.memory_space<semaphore_mem>> -> memref<1x!tpu.dma_semaphore, #tpu.memory_space<semaphore_mem>>
        %dma_start3A_607 = tpu.memref_squeeze %dma_start3A_606 : memref<1x!tpu.dma_semaphore, #tpu.memory_space<semaphore_mem>> -> memref<!tpu.dma_semaphore, #tpu.memory_space<semaphore_mem>>
        tpu.enqueue_indirect_dma source(%dma_start3A_605 : memref<1000000x32xf32, #tpu.memory_space<hbm>>) target(%dma_start3A_599 : memref<128x32xf32, #tpu.memory_space<vmem>>) offsets(%dma_start3A_602 : memref<128xi32, #tpu.memory_space<vmem>>) semaphore(%dma_start3A_607 : memref<!tpu.dma_semaphore, #tpu.memory_space<semaphore_mem>>)
      } else {
      }
      %dma_wait3A_421 = arith.constant 4 : i32
      %dma_wait3A_422 = arith.constant 4 : i32
      %dma_wait3A_423 = arith.constant 0 : i32
      %dma_wait3A_424 = arith.constant 0 : i32
      %dma_wait3A_425 = tpu.memref_slice %arg7[%dma_wait3A_421, %dma_wait3A_423, %dma_wait3A_424] : memref<8x128x32xf32, #tpu.memory_space<vmem>> -> memref<1x128x32xf32, #tpu.memory_space<vmem>>
      %dma_wait3A_426 = tpu.memref_squeeze %dma_wait3A_425 : memref<1x128x32xf32, #tpu.memory_space<vmem>> -> memref<128x32xf32, #tpu.memory_space<vmem>>
      %dma_wait3A_427 = arith.constant 0 : i32
      %dma_wait3A_428 = tpu.memref_slice %arg6[%add3A_413, %dma_wait3A_427] : memref<104x128xi32, #tpu.memory_space<vmem>> -> memref<1x128xi32, #tpu.memory_space<vmem>>
      %dma_wait3A_429 = tpu.memref_squeeze %dma_wait3A_428 : memref<1x128xi32, #tpu.memory_space<vmem>> -> memref<128xi32, #tpu.memory_space<vmem>>
      %dma_wait3A_430 = arith.constant 0 : i32
      %dma_wait3A_431 = arith.constant 0 : i32
      %dma_wait3A_432 = tpu.memref_slice %arg5[%dma_wait3A_430, %dma_wait3A_431] : memref<1000000x32xf32, #tpu.memory_space<hbm>> -> memref<1000000x32xf32, #tpu.memory_space<hbm>>
      %dma_wait3A_433 = tpu.memref_slice %arg8[%dma_wait3A_422] : memref<8x!tpu.dma_semaphore, #tpu.memory_space<semaphore_mem>> -> memref<1x!tpu.dma_semaphore, #tpu.memory_space<semaphore_mem>>
      %dma_wait3A_434 = tpu.memref_squeeze %dma_wait3A_433 : memref<1x!tpu.dma_semaphore, #tpu.memory_space<semaphore_mem>> -> memref<!tpu.dma_semaphore, #tpu.memory_space<semaphore_mem>>
      tpu.wait_indirect_dma semaphore(%dma_wait3A_434 : memref<!tpu.dma_semaphore, #tpu.memory_space<semaphore_mem>>) src(%dma_wait3A_432 : memref<1000000x32xf32, #tpu.memory_space<hbm>>) dst(%dma_wait3A_426 : memref<128x32xf32, #tpu.memory_space<vmem>>)
      %dma_start3A_435 = arith.constant 4 : i32
      %dma_start3A_436 = arith.constant 4 : i32
      %dma_start3A_437 = arith.constant 0 : i32
      %dma_start3A_438 = arith.constant 0 : i32
      %dma_start3A_439 = tpu.memref_slice %arg7[%dma_start3A_435, %dma_start3A_437, %dma_start3A_438] : memref<8x128x32xf32, #tpu.memory_space<vmem>> -> memref<1x128x32xf32, #tpu.memory_space<vmem>>
      %dma_start3A_440 = tpu.memref_squeeze %dma_start3A_439 : memref<1x128x32xf32, #tpu.memory_space<vmem>> -> memref<128x32xf32, #tpu.memory_space<vmem>>
      %dma_start3A_441 = arith.constant 0 : i32
      %dma_start3A_442 = arith.constant 0 : i32
      %dma_start3A_443 = tpu.memref_slice %arg4[%add3A, %add3A_413, %dma_start3A_441, %dma_start3A_442] : memref<32x104x128x32xf32, #tpu.memory_space<hbm>> -> memref<1x1x128x32xf32, #tpu.memory_space<hbm>>
      %dma_start3A_444 = tpu.memref_squeeze %dma_start3A_443 : memref<1x1x128x32xf32, #tpu.memory_space<hbm>> -> memref<128x32xf32, #tpu.memory_space<hbm>>
      %dma_start3A_445 = tpu.memref_slice %arg9[%dma_start3A_436] : memref<8x!tpu.dma_semaphore, #tpu.memory_space<semaphore_mem>> -> memref<1x!tpu.dma_semaphore, #tpu.memory_space<semaphore_mem>>
      %dma_start3A_446 = tpu.memref_squeeze %dma_start3A_445 : memref<1x!tpu.dma_semaphore, #tpu.memory_space<semaphore_mem>> -> memref<!tpu.dma_semaphore, #tpu.memory_space<semaphore_mem>>
      %dma_start3A_447 = arith.constant 0 : i32
      %dma_start3A_448 = arith.constant 0 : i32
      %dma_start3A_449 = tpu.memref_slice %arg4[%add3A, %add3A_413, %dma_start3A_447, %dma_start3A_448] : memref<32x104x128x32xf32, #tpu.memory_space<hbm>> -> memref<1x1x128x32xf32, #tpu.memory_space<hbm>>
      %dma_start3A_450 = tpu.memref_squeeze %dma_start3A_449 : memref<1x1x128x32xf32, #tpu.memory_space<hbm>> -> memref<128x32xf32, #tpu.memory_space<hbm>>
      %dma_start3A_451 = arith.constant 0 : i32
      %dma_start3A_452 = arith.constant 0 : i32
      %dma_start3A_453 = tpu.memref_slice %arg7[%dma_start3A_435, %dma_start3A_451, %dma_start3A_452] : memref<8x128x32xf32, #tpu.memory_space<vmem>> -> memref<1x128x32xf32, #tpu.memory_space<vmem>>
      %dma_start3A_454 = tpu.memref_squeeze %dma_start3A_453 : memref<1x128x32xf32, #tpu.memory_space<vmem>> -> memref<128x32xf32, #tpu.memory_space<vmem>>
      tpu.enqueue_dma source(%dma_start3A_454 : memref<128x32xf32, #tpu.memory_space<vmem>>) target(%dma_start3A_450 : memref<128x32xf32, #tpu.memory_space<hbm>>) target_semaphore(%dma_start3A_446 : memref<!tpu.dma_semaphore, #tpu.memory_space<semaphore_mem>>)
      %mul3A_455 = arith.constant 8 : i32
      %mul3A_456 = arith.muli %scan3A_232, %mul3A_455 : i32
      %add3A_457 = arith.constant 5 : i32
      %add3A_458 = arith.addi %mul3A_456, %add3A_457 : i32
      %add3A_459 = arith.constant 4 : i32
      %add3A_460 = arith.addi %add3A_458, %add3A_459 : i32
      %lt3A_461 = arith.constant 104 : i32
      %lt3A_462 = arith.cmpi slt, %add3A_460, %lt3A_461 : i32
      %convert_element_type3A_463 = arith.extui %lt3A_462 : i1 to i32
      %cond3A_464 = arith.constant 0 : i32
      %cond3A_465 = arith.cmpi ne, %convert_element_type3A_463, %cond3A_464 : i32
      scf.if %cond3A_465 {
        %ge3A = arith.constant 8 : i32
        %ge3A_590 = arith.cmpi sge, %add3A_460, %ge3A : i32
        %convert_element_type3A_591 = arith.extui %ge3A_590 : i1 to i32
        %cond3A_592 = arith.constant 0 : i32
        %cond3A_593 = arith.cmpi ne, %convert_element_type3A_591, %cond3A_592 : i32
        scf.if %cond3A_593 {
          %sub3A = arith.constant 8 : i32
          %sub3A_608 = arith.subi %add3A_460, %sub3A : i32
          %dma_wait3A_609 = arith.constant 1 : i32
          %dma_wait3A_610 = arith.constant 1 : i32
          %dma_wait3A_611 = arith.constant 0 : i32
          %dma_wait3A_612 = arith.constant 0 : i32
          %dma_wait3A_613 = tpu.memref_slice %arg7[%dma_wait3A_609, %dma_wait3A_611, %dma_wait3A_612] : memref<8x128x32xf32, #tpu.memory_space<vmem>> -> memref<1x128x32xf32, #tpu.memory_space<vmem>>
          %dma_wait3A_614 = tpu.memref_squeeze %dma_wait3A_613 : memref<1x128x32xf32, #tpu.memory_space<vmem>> -> memref<128x32xf32, #tpu.memory_space<vmem>>
          %dma_wait3A_615 = arith.constant 0 : i32
          %dma_wait3A_616 = arith.constant 0 : i32
          %dma_wait3A_617 = tpu.memref_slice %arg4[%add3A, %sub3A_608, %dma_wait3A_615, %dma_wait3A_616] : memref<32x104x128x32xf32, #tpu.memory_space<hbm>> -> memref<1x1x128x32xf32, #tpu.memory_space<hbm>>
          %dma_wait3A_618 = tpu.memref_squeeze %dma_wait3A_617 : memref<1x1x128x32xf32, #tpu.memory_space<hbm>> -> memref<128x32xf32, #tpu.memory_space<hbm>>
          %dma_wait3A_619 = tpu.memref_slice %arg9[%dma_wait3A_610] : memref<8x!tpu.dma_semaphore, #tpu.memory_space<semaphore_mem>> -> memref<1x!tpu.dma_semaphore, #tpu.memory_space<semaphore_mem>>
          %dma_wait3A_620 = tpu.memref_squeeze %dma_wait3A_619 : memref<1x!tpu.dma_semaphore, #tpu.memory_space<semaphore_mem>> -> memref<!tpu.dma_semaphore, #tpu.memory_space<semaphore_mem>>
          %dma_wait3A_621 = arith.constant 0 : i32
          %dma_wait3A_622 = arith.constant 0 : i32
          %dma_wait3A_623 = tpu.memref_slice %arg4[%add3A, %sub3A_608, %dma_wait3A_621, %dma_wait3A_622] : memref<32x104x128x32xf32, #tpu.memory_space<hbm>> -> memref<1x1x128x32xf32, #tpu.memory_space<hbm>>
          %dma_wait3A_624 = tpu.memref_squeeze %dma_wait3A_623 : memref<1x1x128x32xf32, #tpu.memory_space<hbm>> -> memref<128x32xf32, #tpu.memory_space<hbm>>
          %dma_wait3A_625 = arith.constant 0 : i32
          %dma_wait3A_626 = arith.constant 0 : i32
          %dma_wait3A_627 = tpu.memref_slice %arg7[%dma_wait3A_609, %dma_wait3A_625, %dma_wait3A_626] : memref<8x128x32xf32, #tpu.memory_space<vmem>> -> memref<1x128x32xf32, #tpu.memory_space<vmem>>
          %dma_wait3A_628 = tpu.memref_squeeze %dma_wait3A_627 : memref<1x128x32xf32, #tpu.memory_space<vmem>> -> memref<128x32xf32, #tpu.memory_space<vmem>>
          tpu.wait_dma2 semaphore(%dma_wait3A_620 : memref<!tpu.dma_semaphore, #tpu.memory_space<semaphore_mem>>) src(%dma_wait3A_628 : memref<128x32xf32, #tpu.memory_space<vmem>>) dst(%dma_wait3A_624 : memref<128x32xf32, #tpu.memory_space<hbm>>)
        } else {
        }
        %dma_start3A_594 = arith.constant 1 : i32
        %dma_start3A_595 = arith.constant 1 : i32
        %dma_start3A_596 = arith.constant 0 : i32
        %dma_start3A_597 = arith.constant 0 : i32
        %dma_start3A_598 = tpu.memref_slice %arg7[%dma_start3A_594, %dma_start3A_596, %dma_start3A_597] : memref<8x128x32xf32, #tpu.memory_space<vmem>> -> memref<1x128x32xf32, #tpu.memory_space<vmem>>
        %dma_start3A_599 = tpu.memref_squeeze %dma_start3A_598 : memref<1x128x32xf32, #tpu.memory_space<vmem>> -> memref<128x32xf32, #tpu.memory_space<vmem>>
        %dma_start3A_600 = arith.constant 0 : i32
        %dma_start3A_601 = tpu.memref_slice %arg6[%add3A_460, %dma_start3A_600] : memref<104x128xi32, #tpu.memory_space<vmem>> -> memref<1x128xi32, #tpu.memory_space<vmem>>
        %dma_start3A_602 = tpu.memref_squeeze %dma_start3A_601 : memref<1x128xi32, #tpu.memory_space<vmem>> -> memref<128xi32, #tpu.memory_space<vmem>>
        %dma_start3A_603 = arith.constant 0 : i32
        %dma_start3A_604 = arith.constant 0 : i32
        %dma_start3A_605 = tpu.memref_slice %arg5[%dma_start3A_603, %dma_start3A_604] : memref<1000000x32xf32, #tpu.memory_space<hbm>> -> memref<1000000x32xf32, #tpu.memory_space<hbm>>
        %dma_start3A_606 = tpu.memref_slice %arg8[%dma_start3A_595] : memref<8x!tpu.dma_semaphore, #tpu.memory_space<semaphore_mem>> -> memref<1x!tpu.dma_semaphore, #tpu.memory_space<semaphore_mem>>
        %dma_start3A_607 = tpu.memref_squeeze %dma_start3A_606 : memref<1x!tpu.dma_semaphore, #tpu.memory_space<semaphore_mem>> -> memref<!tpu.dma_semaphore, #tpu.memory_space<semaphore_mem>>
        tpu.enqueue_indirect_dma source(%dma_start3A_605 : memref<1000000x32xf32, #tpu.memory_space<hbm>>) target(%dma_start3A_599 : memref<128x32xf32, #tpu.memory_space<vmem>>) offsets(%dma_start3A_602 : memref<128xi32, #tpu.memory_space<vmem>>) semaphore(%dma_start3A_607 : memref<!tpu.dma_semaphore, #tpu.memory_space<semaphore_mem>>)
      } else {
      }
      %dma_wait3A_466 = arith.constant 5 : i32
      %dma_wait3A_467 = arith.constant 5 : i32
      %dma_wait3A_468 = arith.constant 0 : i32
      %dma_wait3A_469 = arith.constant 0 : i32
      %dma_wait3A_470 = tpu.memref_slice %arg7[%dma_wait3A_466, %dma_wait3A_468, %dma_wait3A_469] : memref<8x128x32xf32, #tpu.memory_space<vmem>> -> memref<1x128x32xf32, #tpu.memory_space<vmem>>
      %dma_wait3A_471 = tpu.memref_squeeze %dma_wait3A_470 : memref<1x128x32xf32, #tpu.memory_space<vmem>> -> memref<128x32xf32, #tpu.memory_space<vmem>>
      %dma_wait3A_472 = arith.constant 0 : i32
      %dma_wait3A_473 = tpu.memref_slice %arg6[%add3A_458, %dma_wait3A_472] : memref<104x128xi32, #tpu.memory_space<vmem>> -> memref<1x128xi32, #tpu.memory_space<vmem>>
      %dma_wait3A_474 = tpu.memref_squeeze %dma_wait3A_473 : memref<1x128xi32, #tpu.memory_space<vmem>> -> memref<128xi32, #tpu.memory_space<vmem>>
      %dma_wait3A_475 = arith.constant 0 : i32
      %dma_wait3A_476 = arith.constant 0 : i32
      %dma_wait3A_477 = tpu.memref_slice %arg5[%dma_wait3A_475, %dma_wait3A_476] : memref<1000000x32xf32, #tpu.memory_space<hbm>> -> memref<1000000x32xf32, #tpu.memory_space<hbm>>
      %dma_wait3A_478 = tpu.memref_slice %arg8[%dma_wait3A_467] : memref<8x!tpu.dma_semaphore, #tpu.memory_space<semaphore_mem>> -> memref<1x!tpu.dma_semaphore, #tpu.memory_space<semaphore_mem>>
      %dma_wait3A_479 = tpu.memref_squeeze %dma_wait3A_478 : memref<1x!tpu.dma_semaphore, #tpu.memory_space<semaphore_mem>> -> memref<!tpu.dma_semaphore, #tpu.memory_space<semaphore_mem>>
      tpu.wait_indirect_dma semaphore(%dma_wait3A_479 : memref<!tpu.dma_semaphore, #tpu.memory_space<semaphore_mem>>) src(%dma_wait3A_477 : memref<1000000x32xf32, #tpu.memory_space<hbm>>) dst(%dma_wait3A_471 : memref<128x32xf32, #tpu.memory_space<vmem>>)
      %dma_start3A_480 = arith.constant 5 : i32
      %dma_start3A_481 = arith.constant 5 : i32
      %dma_start3A_482 = arith.constant 0 : i32
      %dma_start3A_483 = arith.constant 0 : i32
      %dma_start3A_484 = tpu.memref_slice %arg7[%dma_start3A_480, %dma_start3A_482, %dma_start3A_483] : memref<8x128x32xf32, #tpu.memory_space<vmem>> -> memref<1x128x32xf32, #tpu.memory_space<vmem>>
      %dma_start3A_485 = tpu.memref_squeeze %dma_start3A_484 : memref<1x128x32xf32, #tpu.memory_space<vmem>> -> memref<128x32xf32, #tpu.memory_space<vmem>>
      %dma_start3A_486 = arith.constant 0 : i32
      %dma_start3A_487 = arith.constant 0 : i32
      %dma_start3A_488 = tpu.memref_slice %arg4[%add3A, %add3A_458, %dma_start3A_486, %dma_start3A_487] : memref<32x104x128x32xf32, #tpu.memory_space<hbm>> -> memref<1x1x128x32xf32, #tpu.memory_space<hbm>>
      %dma_start3A_489 = tpu.memref_squeeze %dma_start3A_488 : memref<1x1x128x32xf32, #tpu.memory_space<hbm>> -> memref<128x32xf32, #tpu.memory_space<hbm>>
      %dma_start3A_490 = tpu.memref_slice %arg9[%dma_start3A_481] : memref<8x!tpu.dma_semaphore, #tpu.memory_space<semaphore_mem>> -> memref<1x!tpu.dma_semaphore, #tpu.memory_space<semaphore_mem>>
      %dma_start3A_491 = tpu.memref_squeeze %dma_start3A_490 : memref<1x!tpu.dma_semaphore, #tpu.memory_space<semaphore_mem>> -> memref<!tpu.dma_semaphore, #tpu.memory_space<semaphore_mem>>
      %dma_start3A_492 = arith.constant 0 : i32
      %dma_start3A_493 = arith.constant 0 : i32
      %dma_start3A_494 = tpu.memref_slice %arg4[%add3A, %add3A_458, %dma_start3A_492, %dma_start3A_493] : memref<32x104x128x32xf32, #tpu.memory_space<hbm>> -> memref<1x1x128x32xf32, #tpu.memory_space<hbm>>
      %dma_start3A_495 = tpu.memref_squeeze %dma_start3A_494 : memref<1x1x128x32xf32, #tpu.memory_space<hbm>> -> memref<128x32xf32, #tpu.memory_space<hbm>>
      %dma_start3A_496 = arith.constant 0 : i32
      %dma_start3A_497 = arith.constant 0 : i32
      %dma_start3A_498 = tpu.memref_slice %arg7[%dma_start3A_480, %dma_start3A_496, %dma_start3A_497] : memref<8x128x32xf32, #tpu.memory_space<vmem>> -> memref<1x128x32xf32, #tpu.memory_space<vmem>>
      %dma_start3A_499 = tpu.memref_squeeze %dma_start3A_498 : memref<1x128x32xf32, #tpu.memory_space<vmem>> -> memref<128x32xf32, #tpu.memory_space<vmem>>
      tpu.enqueue_dma source(%dma_start3A_499 : memref<128x32xf32, #tpu.memory_space<vmem>>) target(%dma_start3A_495 : memref<128x32xf32, #tpu.memory_space<hbm>>) target_semaphore(%dma_start3A_491 : memref<!tpu.dma_semaphore, #tpu.memory_space<semaphore_mem>>)
      %mul3A_500 = arith.constant 8 : i32
      %mul3A_501 = arith.muli %scan3A_232, %mul3A_500 : i32
      %add3A_502 = arith.constant 6 : i32
      %add3A_503 = arith.addi %mul3A_501, %add3A_502 : i32
      %add3A_504 = arith.constant 4 : i32
      %add3A_505 = arith.addi %add3A_503, %add3A_504 : i32
      %lt3A_506 = arith.constant 104 : i32
      %lt3A_507 = arith.cmpi slt, %add3A_505, %lt3A_506 : i32
      %convert_element_type3A_508 = arith.extui %lt3A_507 : i1 to i32
      %cond3A_509 = arith.constant 0 : i32
      %cond3A_510 = arith.cmpi ne, %convert_element_type3A_508, %cond3A_509 : i32
      scf.if %cond3A_510 {
        %ge3A = arith.constant 8 : i32
        %ge3A_590 = arith.cmpi sge, %add3A_505, %ge3A : i32
        %convert_element_type3A_591 = arith.extui %ge3A_590 : i1 to i32
        %cond3A_592 = arith.constant 0 : i32
        %cond3A_593 = arith.cmpi ne, %convert_element_type3A_591, %cond3A_592 : i32
        scf.if %cond3A_593 {
          %sub3A = arith.constant 8 : i32
          %sub3A_608 = arith.subi %add3A_505, %sub3A : i32
          %dma_wait3A_609 = arith.constant 2 : i32
          %dma_wait3A_610 = arith.constant 2 : i32
          %dma_wait3A_611 = arith.constant 0 : i32
          %dma_wait3A_612 = arith.constant 0 : i32
          %dma_wait3A_613 = tpu.memref_slice %arg7[%dma_wait3A_609, %dma_wait3A_611, %dma_wait3A_612] : memref<8x128x32xf32, #tpu.memory_space<vmem>> -> memref<1x128x32xf32, #tpu.memory_space<vmem>>
          %dma_wait3A_614 = tpu.memref_squeeze %dma_wait3A_613 : memref<1x128x32xf32, #tpu.memory_space<vmem>> -> memref<128x32xf32, #tpu.memory_space<vmem>>
          %dma_wait3A_615 = arith.constant 0 : i32
          %dma_wait3A_616 = arith.constant 0 : i32
          %dma_wait3A_617 = tpu.memref_slice %arg4[%add3A, %sub3A_608, %dma_wait3A_615, %dma_wait3A_616] : memref<32x104x128x32xf32, #tpu.memory_space<hbm>> -> memref<1x1x128x32xf32, #tpu.memory_space<hbm>>
          %dma_wait3A_618 = tpu.memref_squeeze %dma_wait3A_617 : memref<1x1x128x32xf32, #tpu.memory_space<hbm>> -> memref<128x32xf32, #tpu.memory_space<hbm>>
          %dma_wait3A_619 = tpu.memref_slice %arg9[%dma_wait3A_610] : memref<8x!tpu.dma_semaphore, #tpu.memory_space<semaphore_mem>> -> memref<1x!tpu.dma_semaphore, #tpu.memory_space<semaphore_mem>>
          %dma_wait3A_620 = tpu.memref_squeeze %dma_wait3A_619 : memref<1x!tpu.dma_semaphore, #tpu.memory_space<semaphore_mem>> -> memref<!tpu.dma_semaphore, #tpu.memory_space<semaphore_mem>>
          %dma_wait3A_621 = arith.constant 0 : i32
          %dma_wait3A_622 = arith.constant 0 : i32
          %dma_wait3A_623 = tpu.memref_slice %arg4[%add3A, %sub3A_608, %dma_wait3A_621, %dma_wait3A_622] : memref<32x104x128x32xf32, #tpu.memory_space<hbm>> -> memref<1x1x128x32xf32, #tpu.memory_space<hbm>>
          %dma_wait3A_624 = tpu.memref_squeeze %dma_wait3A_623 : memref<1x1x128x32xf32, #tpu.memory_space<hbm>> -> memref<128x32xf32, #tpu.memory_space<hbm>>
          %dma_wait3A_625 = arith.constant 0 : i32
          %dma_wait3A_626 = arith.constant 0 : i32
          %dma_wait3A_627 = tpu.memref_slice %arg7[%dma_wait3A_609, %dma_wait3A_625, %dma_wait3A_626] : memref<8x128x32xf32, #tpu.memory_space<vmem>> -> memref<1x128x32xf32, #tpu.memory_space<vmem>>
          %dma_wait3A_628 = tpu.memref_squeeze %dma_wait3A_627 : memref<1x128x32xf32, #tpu.memory_space<vmem>> -> memref<128x32xf32, #tpu.memory_space<vmem>>
          tpu.wait_dma2 semaphore(%dma_wait3A_620 : memref<!tpu.dma_semaphore, #tpu.memory_space<semaphore_mem>>) src(%dma_wait3A_628 : memref<128x32xf32, #tpu.memory_space<vmem>>) dst(%dma_wait3A_624 : memref<128x32xf32, #tpu.memory_space<hbm>>)
        } else {
        }
        %dma_start3A_594 = arith.constant 2 : i32
        %dma_start3A_595 = arith.constant 2 : i32
        %dma_start3A_596 = arith.constant 0 : i32
        %dma_start3A_597 = arith.constant 0 : i32
        %dma_start3A_598 = tpu.memref_slice %arg7[%dma_start3A_594, %dma_start3A_596, %dma_start3A_597] : memref<8x128x32xf32, #tpu.memory_space<vmem>> -> memref<1x128x32xf32, #tpu.memory_space<vmem>>
        %dma_start3A_599 = tpu.memref_squeeze %dma_start3A_598 : memref<1x128x32xf32, #tpu.memory_space<vmem>> -> memref<128x32xf32, #tpu.memory_space<vmem>>
        %dma_start3A_600 = arith.constant 0 : i32
        %dma_start3A_601 = tpu.memref_slice %arg6[%add3A_505, %dma_start3A_600] : memref<104x128xi32, #tpu.memory_space<vmem>> -> memref<1x128xi32, #tpu.memory_space<vmem>>
        %dma_start3A_602 = tpu.memref_squeeze %dma_start3A_601 : memref<1x128xi32, #tpu.memory_space<vmem>> -> memref<128xi32, #tpu.memory_space<vmem>>
        %dma_start3A_603 = arith.constant 0 : i32
        %dma_start3A_604 = arith.constant 0 : i32
        %dma_start3A_605 = tpu.memref_slice %arg5[%dma_start3A_603, %dma_start3A_604] : memref<1000000x32xf32, #tpu.memory_space<hbm>> -> memref<1000000x32xf32, #tpu.memory_space<hbm>>
        %dma_start3A_606 = tpu.memref_slice %arg8[%dma_start3A_595] : memref<8x!tpu.dma_semaphore, #tpu.memory_space<semaphore_mem>> -> memref<1x!tpu.dma_semaphore, #tpu.memory_space<semaphore_mem>>
        %dma_start3A_607 = tpu.memref_squeeze %dma_start3A_606 : memref<1x!tpu.dma_semaphore, #tpu.memory_space<semaphore_mem>> -> memref<!tpu.dma_semaphore, #tpu.memory_space<semaphore_mem>>
        tpu.enqueue_indirect_dma source(%dma_start3A_605 : memref<1000000x32xf32, #tpu.memory_space<hbm>>) target(%dma_start3A_599 : memref<128x32xf32, #tpu.memory_space<vmem>>) offsets(%dma_start3A_602 : memref<128xi32, #tpu.memory_space<vmem>>) semaphore(%dma_start3A_607 : memref<!tpu.dma_semaphore, #tpu.memory_space<semaphore_mem>>)
      } else {
      }
      %dma_wait3A_511 = arith.constant 6 : i32
      %dma_wait3A_512 = arith.constant 6 : i32
      %dma_wait3A_513 = arith.constant 0 : i32
      %dma_wait3A_514 = arith.constant 0 : i32
      %dma_wait3A_515 = tpu.memref_slice %arg7[%dma_wait3A_511, %dma_wait3A_513, %dma_wait3A_514] : memref<8x128x32xf32, #tpu.memory_space<vmem>> -> memref<1x128x32xf32, #tpu.memory_space<vmem>>
      %dma_wait3A_516 = tpu.memref_squeeze %dma_wait3A_515 : memref<1x128x32xf32, #tpu.memory_space<vmem>> -> memref<128x32xf32, #tpu.memory_space<vmem>>
      %dma_wait3A_517 = arith.constant 0 : i32
      %dma_wait3A_518 = tpu.memref_slice %arg6[%add3A_503, %dma_wait3A_517] : memref<104x128xi32, #tpu.memory_space<vmem>> -> memref<1x128xi32, #tpu.memory_space<vmem>>
      %dma_wait3A_519 = tpu.memref_squeeze %dma_wait3A_518 : memref<1x128xi32, #tpu.memory_space<vmem>> -> memref<128xi32, #tpu.memory_space<vmem>>
      %dma_wait3A_520 = arith.constant 0 : i32
      %dma_wait3A_521 = arith.constant 0 : i32
      %dma_wait3A_522 = tpu.memref_slice %arg5[%dma_wait3A_520, %dma_wait3A_521] : memref<1000000x32xf32, #tpu.memory_space<hbm>> -> memref<1000000x32xf32, #tpu.memory_space<hbm>>
      %dma_wait3A_523 = tpu.memref_slice %arg8[%dma_wait3A_512] : memref<8x!tpu.dma_semaphore, #tpu.memory_space<semaphore_mem>> -> memref<1x!tpu.dma_semaphore, #tpu.memory_space<semaphore_mem>>
      %dma_wait3A_524 = tpu.memref_squeeze %dma_wait3A_523 : memref<1x!tpu.dma_semaphore, #tpu.memory_space<semaphore_mem>> -> memref<!tpu.dma_semaphore, #tpu.memory_space<semaphore_mem>>
      tpu.wait_indirect_dma semaphore(%dma_wait3A_524 : memref<!tpu.dma_semaphore, #tpu.memory_space<semaphore_mem>>) src(%dma_wait3A_522 : memref<1000000x32xf32, #tpu.memory_space<hbm>>) dst(%dma_wait3A_516 : memref<128x32xf32, #tpu.memory_space<vmem>>)
      %dma_start3A_525 = arith.constant 6 : i32
      %dma_start3A_526 = arith.constant 6 : i32
      %dma_start3A_527 = arith.constant 0 : i32
      %dma_start3A_528 = arith.constant 0 : i32
      %dma_start3A_529 = tpu.memref_slice %arg7[%dma_start3A_525, %dma_start3A_527, %dma_start3A_528] : memref<8x128x32xf32, #tpu.memory_space<vmem>> -> memref<1x128x32xf32, #tpu.memory_space<vmem>>
      %dma_start3A_530 = tpu.memref_squeeze %dma_start3A_529 : memref<1x128x32xf32, #tpu.memory_space<vmem>> -> memref<128x32xf32, #tpu.memory_space<vmem>>
      %dma_start3A_531 = arith.constant 0 : i32
      %dma_start3A_532 = arith.constant 0 : i32
      %dma_start3A_533 = tpu.memref_slice %arg4[%add3A, %add3A_503, %dma_start3A_531, %dma_start3A_532] : memref<32x104x128x32xf32, #tpu.memory_space<hbm>> -> memref<1x1x128x32xf32, #tpu.memory_space<hbm>>
      %dma_start3A_534 = tpu.memref_squeeze %dma_start3A_533 : memref<1x1x128x32xf32, #tpu.memory_space<hbm>> -> memref<128x32xf32, #tpu.memory_space<hbm>>
      %dma_start3A_535 = tpu.memref_slice %arg9[%dma_start3A_526] : memref<8x!tpu.dma_semaphore, #tpu.memory_space<semaphore_mem>> -> memref<1x!tpu.dma_semaphore, #tpu.memory_space<semaphore_mem>>
      %dma_start3A_536 = tpu.memref_squeeze %dma_start3A_535 : memref<1x!tpu.dma_semaphore, #tpu.memory_space<semaphore_mem>> -> memref<!tpu.dma_semaphore, #tpu.memory_space<semaphore_mem>>
      %dma_start3A_537 = arith.constant 0 : i32
      %dma_start3A_538 = arith.constant 0 : i32
      %dma_start3A_539 = tpu.memref_slice %arg4[%add3A, %add3A_503, %dma_start3A_537, %dma_start3A_538] : memref<32x104x128x32xf32, #tpu.memory_space<hbm>> -> memref<1x1x128x32xf32, #tpu.memory_space<hbm>>
      %dma_start3A_540 = tpu.memref_squeeze %dma_start3A_539 : memref<1x1x128x32xf32, #tpu.memory_space<hbm>> -> memref<128x32xf32, #tpu.memory_space<hbm>>
      %dma_start3A_541 = arith.constant 0 : i32
      %dma_start3A_542 = arith.constant 0 : i32
      %dma_start3A_543 = tpu.memref_slice %arg7[%dma_start3A_525, %dma_start3A_541, %dma_start3A_542] : memref<8x128x32xf32, #tpu.memory_space<vmem>> -> memref<1x128x32xf32, #tpu.memory_space<vmem>>
      %dma_start3A_544 = tpu.memref_squeeze %dma_start3A_543 : memref<1x128x32xf32, #tpu.memory_space<vmem>> -> memref<128x32xf32, #tpu.memory_space<vmem>>
      tpu.enqueue_dma source(%dma_start3A_544 : memref<128x32xf32, #tpu.memory_space<vmem>>) target(%dma_start3A_540 : memref<128x32xf32, #tpu.memory_space<hbm>>) target_semaphore(%dma_start3A_536 : memref<!tpu.dma_semaphore, #tpu.memory_space<semaphore_mem>>)
      %mul3A_545 = arith.constant 8 : i32
      %mul3A_546 = arith.muli %scan3A_232, %mul3A_545 : i32
      %add3A_547 = arith.constant 7 : i32
      %add3A_548 = arith.addi %mul3A_546, %add3A_547 : i32
      %add3A_549 = arith.constant 4 : i32
      %add3A_550 = arith.addi %add3A_548, %add3A_549 : i32
      %lt3A_551 = arith.constant 104 : i32
      %lt3A_552 = arith.cmpi slt, %add3A_550, %lt3A_551 : i32
      %convert_element_type3A_553 = arith.extui %lt3A_552 : i1 to i32
      %cond3A_554 = arith.constant 0 : i32
      %cond3A_555 = arith.cmpi ne, %convert_element_type3A_553, %cond3A_554 : i32
      scf.if %cond3A_555 {
        %ge3A = arith.constant 8 : i32
        %ge3A_590 = arith.cmpi sge, %add3A_550, %ge3A : i32
        %convert_element_type3A_591 = arith.extui %ge3A_590 : i1 to i32
        %cond3A_592 = arith.constant 0 : i32
        %cond3A_593 = arith.cmpi ne, %convert_element_type3A_591, %cond3A_592 : i32
        scf.if %cond3A_593 {
          %sub3A = arith.constant 8 : i32
          %sub3A_608 = arith.subi %add3A_550, %sub3A : i32
          %dma_wait3A_609 = arith.constant 3 : i32
          %dma_wait3A_610 = arith.constant 3 : i32
          %dma_wait3A_611 = arith.constant 0 : i32
          %dma_wait3A_612 = arith.constant 0 : i32
          %dma_wait3A_613 = tpu.memref_slice %arg7[%dma_wait3A_609, %dma_wait3A_611, %dma_wait3A_612] : memref<8x128x32xf32, #tpu.memory_space<vmem>> -> memref<1x128x32xf32, #tpu.memory_space<vmem>>
          %dma_wait3A_614 = tpu.memref_squeeze %dma_wait3A_613 : memref<1x128x32xf32, #tpu.memory_space<vmem>> -> memref<128x32xf32, #tpu.memory_space<vmem>>
          %dma_wait3A_615 = arith.constant 0 : i32
          %dma_wait3A_616 = arith.constant 0 : i32
          %dma_wait3A_617 = tpu.memref_slice %arg4[%add3A, %sub3A_608, %dma_wait3A_615, %dma_wait3A_616] : memref<32x104x128x32xf32, #tpu.memory_space<hbm>> -> memref<1x1x128x32xf32, #tpu.memory_space<hbm>>
          %dma_wait3A_618 = tpu.memref_squeeze %dma_wait3A_617 : memref<1x1x128x32xf32, #tpu.memory_space<hbm>> -> memref<128x32xf32, #tpu.memory_space<hbm>>
          %dma_wait3A_619 = tpu.memref_slice %arg9[%dma_wait3A_610] : memref<8x!tpu.dma_semaphore, #tpu.memory_space<semaphore_mem>> -> memref<1x!tpu.dma_semaphore, #tpu.memory_space<semaphore_mem>>
          %dma_wait3A_620 = tpu.memref_squeeze %dma_wait3A_619 : memref<1x!tpu.dma_semaphore, #tpu.memory_space<semaphore_mem>> -> memref<!tpu.dma_semaphore, #tpu.memory_space<semaphore_mem>>
          %dma_wait3A_621 = arith.constant 0 : i32
          %dma_wait3A_622 = arith.constant 0 : i32
          %dma_wait3A_623 = tpu.memref_slice %arg4[%add3A, %sub3A_608, %dma_wait3A_621, %dma_wait3A_622] : memref<32x104x128x32xf32, #tpu.memory_space<hbm>> -> memref<1x1x128x32xf32, #tpu.memory_space<hbm>>
          %dma_wait3A_624 = tpu.memref_squeeze %dma_wait3A_623 : memref<1x1x128x32xf32, #tpu.memory_space<hbm>> -> memref<128x32xf32, #tpu.memory_space<hbm>>
          %dma_wait3A_625 = arith.constant 0 : i32
          %dma_wait3A_626 = arith.constant 0 : i32
          %dma_wait3A_627 = tpu.memref_slice %arg7[%dma_wait3A_609, %dma_wait3A_625, %dma_wait3A_626] : memref<8x128x32xf32, #tpu.memory_space<vmem>> -> memref<1x128x32xf32, #tpu.memory_space<vmem>>
          %dma_wait3A_628 = tpu.memref_squeeze %dma_wait3A_627 : memref<1x128x32xf32, #tpu.memory_space<vmem>> -> memref<128x32xf32, #tpu.memory_space<vmem>>
          tpu.wait_dma2 semaphore(%dma_wait3A_620 : memref<!tpu.dma_semaphore, #tpu.memory_space<semaphore_mem>>) src(%dma_wait3A_628 : memref<128x32xf32, #tpu.memory_space<vmem>>) dst(%dma_wait3A_624 : memref<128x32xf32, #tpu.memory_space<hbm>>)
        } else {
        }
        %dma_start3A_594 = arith.constant 3 : i32
        %dma_start3A_595 = arith.constant 3 : i32
        %dma_start3A_596 = arith.constant 0 : i32
        %dma_start3A_597 = arith.constant 0 : i32
        %dma_start3A_598 = tpu.memref_slice %arg7[%dma_start3A_594, %dma_start3A_596, %dma_start3A_597] : memref<8x128x32xf32, #tpu.memory_space<vmem>> -> memref<1x128x32xf32, #tpu.memory_space<vmem>>
        %dma_start3A_599 = tpu.memref_squeeze %dma_start3A_598 : memref<1x128x32xf32, #tpu.memory_space<vmem>> -> memref<128x32xf32, #tpu.memory_space<vmem>>
        %dma_start3A_600 = arith.constant 0 : i32
        %dma_start3A_601 = tpu.memref_slice %arg6[%add3A_550, %dma_start3A_600] : memref<104x128xi32, #tpu.memory_space<vmem>> -> memref<1x128xi32, #tpu.memory_space<vmem>>
        %dma_start3A_602 = tpu.memref_squeeze %dma_start3A_601 : memref<1x128xi32, #tpu.memory_space<vmem>> -> memref<128xi32, #tpu.memory_space<vmem>>
        %dma_start3A_603 = arith.constant 0 : i32
        %dma_start3A_604 = arith.constant 0 : i32
        %dma_start3A_605 = tpu.memref_slice %arg5[%dma_start3A_603, %dma_start3A_604] : memref<1000000x32xf32, #tpu.memory_space<hbm>> -> memref<1000000x32xf32, #tpu.memory_space<hbm>>
        %dma_start3A_606 = tpu.memref_slice %arg8[%dma_start3A_595] : memref<8x!tpu.dma_semaphore, #tpu.memory_space<semaphore_mem>> -> memref<1x!tpu.dma_semaphore, #tpu.memory_space<semaphore_mem>>
        %dma_start3A_607 = tpu.memref_squeeze %dma_start3A_606 : memref<1x!tpu.dma_semaphore, #tpu.memory_space<semaphore_mem>> -> memref<!tpu.dma_semaphore, #tpu.memory_space<semaphore_mem>>
        tpu.enqueue_indirect_dma source(%dma_start3A_605 : memref<1000000x32xf32, #tpu.memory_space<hbm>>) target(%dma_start3A_599 : memref<128x32xf32, #tpu.memory_space<vmem>>) offsets(%dma_start3A_602 : memref<128xi32, #tpu.memory_space<vmem>>) semaphore(%dma_start3A_607 : memref<!tpu.dma_semaphore, #tpu.memory_space<semaphore_mem>>)
      } else {
      }
      %dma_wait3A_556 = arith.constant 7 : i32
      %dma_wait3A_557 = arith.constant 7 : i32
      %dma_wait3A_558 = arith.constant 0 : i32
      %dma_wait3A_559 = arith.constant 0 : i32
      %dma_wait3A_560 = tpu.memref_slice %arg7[%dma_wait3A_556, %dma_wait3A_558, %dma_wait3A_559] : memref<8x128x32xf32, #tpu.memory_space<vmem>> -> memref<1x128x32xf32, #tpu.memory_space<vmem>>
      %dma_wait3A_561 = tpu.memref_squeeze %dma_wait3A_560 : memref<1x128x32xf32, #tpu.memory_space<vmem>> -> memref<128x32xf32, #tpu.memory_space<vmem>>
      %dma_wait3A_562 = arith.constant 0 : i32
      %dma_wait3A_563 = tpu.memref_slice %arg6[%add3A_548, %dma_wait3A_562] : memref<104x128xi32, #tpu.memory_space<vmem>> -> memref<1x128xi32, #tpu.memory_space<vmem>>
      %dma_wait3A_564 = tpu.memref_squeeze %dma_wait3A_563 : memref<1x128xi32, #tpu.memory_space<vmem>> -> memref<128xi32, #tpu.memory_space<vmem>>
      %dma_wait3A_565 = arith.constant 0 : i32
      %dma_wait3A_566 = arith.constant 0 : i32
      %dma_wait3A_567 = tpu.memref_slice %arg5[%dma_wait3A_565, %dma_wait3A_566] : memref<1000000x32xf32, #tpu.memory_space<hbm>> -> memref<1000000x32xf32, #tpu.memory_space<hbm>>
      %dma_wait3A_568 = tpu.memref_slice %arg8[%dma_wait3A_557] : memref<8x!tpu.dma_semaphore, #tpu.memory_space<semaphore_mem>> -> memref<1x!tpu.dma_semaphore, #tpu.memory_space<semaphore_mem>>
      %dma_wait3A_569 = tpu.memref_squeeze %dma_wait3A_568 : memref<1x!tpu.dma_semaphore, #tpu.memory_space<semaphore_mem>> -> memref<!tpu.dma_semaphore, #tpu.memory_space<semaphore_mem>>
      tpu.wait_indirect_dma semaphore(%dma_wait3A_569 : memref<!tpu.dma_semaphore, #tpu.memory_space<semaphore_mem>>) src(%dma_wait3A_567 : memref<1000000x32xf32, #tpu.memory_space<hbm>>) dst(%dma_wait3A_561 : memref<128x32xf32, #tpu.memory_space<vmem>>)
      %dma_start3A_570 = arith.constant 7 : i32
      %dma_start3A_571 = arith.constant 7 : i32
      %dma_start3A_572 = arith.constant 0 : i32
      %dma_start3A_573 = arith.constant 0 : i32
      %dma_start3A_574 = tpu.memref_slice %arg7[%dma_start3A_570, %dma_start3A_572, %dma_start3A_573] : memref<8x128x32xf32, #tpu.memory_space<vmem>> -> memref<1x128x32xf32, #tpu.memory_space<vmem>>
      %dma_start3A_575 = tpu.memref_squeeze %dma_start3A_574 : memref<1x128x32xf32, #tpu.memory_space<vmem>> -> memref<128x32xf32, #tpu.memory_space<vmem>>
      %dma_start3A_576 = arith.constant 0 : i32
      %dma_start3A_577 = arith.constant 0 : i32
      %dma_start3A_578 = tpu.memref_slice %arg4[%add3A, %add3A_548, %dma_start3A_576, %dma_start3A_577] : memref<32x104x128x32xf32, #tpu.memory_space<hbm>> -> memref<1x1x128x32xf32, #tpu.memory_space<hbm>>
      %dma_start3A_579 = tpu.memref_squeeze %dma_start3A_578 : memref<1x1x128x32xf32, #tpu.memory_space<hbm>> -> memref<128x32xf32, #tpu.memory_space<hbm>>
      %dma_start3A_580 = tpu.memref_slice %arg9[%dma_start3A_571] : memref<8x!tpu.dma_semaphore, #tpu.memory_space<semaphore_mem>> -> memref<1x!tpu.dma_semaphore, #tpu.memory_space<semaphore_mem>>
      %dma_start3A_581 = tpu.memref_squeeze %dma_start3A_580 : memref<1x!tpu.dma_semaphore, #tpu.memory_space<semaphore_mem>> -> memref<!tpu.dma_semaphore, #tpu.memory_space<semaphore_mem>>
      %dma_start3A_582 = arith.constant 0 : i32
      %dma_start3A_583 = arith.constant 0 : i32
      %dma_start3A_584 = tpu.memref_slice %arg4[%add3A, %add3A_548, %dma_start3A_582, %dma_start3A_583] : memref<32x104x128x32xf32, #tpu.memory_space<hbm>> -> memref<1x1x128x32xf32, #tpu.memory_space<hbm>>
      %dma_start3A_585 = tpu.memref_squeeze %dma_start3A_584 : memref<1x1x128x32xf32, #tpu.memory_space<hbm>> -> memref<128x32xf32, #tpu.memory_space<hbm>>
      %dma_start3A_586 = arith.constant 0 : i32
      %dma_start3A_587 = arith.constant 0 : i32
      %dma_start3A_588 = tpu.memref_slice %arg7[%dma_start3A_570, %dma_start3A_586, %dma_start3A_587] : memref<8x128x32xf32, #tpu.memory_space<vmem>> -> memref<1x128x32xf32, #tpu.memory_space<vmem>>
      %dma_start3A_589 = tpu.memref_squeeze %dma_start3A_588 : memref<1x128x32xf32, #tpu.memory_space<vmem>> -> memref<128x32xf32, #tpu.memory_space<vmem>>
      tpu.enqueue_dma source(%dma_start3A_589 : memref<128x32xf32, #tpu.memory_space<vmem>>) target(%dma_start3A_585 : memref<128x32xf32, #tpu.memory_space<hbm>>) target_semaphore(%dma_start3A_581 : memref<!tpu.dma_semaphore, #tpu.memory_space<semaphore_mem>>)
    }
    %scan3A_64 = arith.constant 13 : i32
    %dma_wait3A = arith.constant 0 : i32
    %dma_wait3A_65 = arith.constant 96 : i32
    %dma_wait3A_66 = arith.constant 0 : i32
    %dma_wait3A_67 = arith.constant 0 : i32
    %dma_wait3A_68 = arith.constant 0 : i32
    %dma_wait3A_69 = tpu.memref_slice %arg7[%dma_wait3A, %dma_wait3A_67, %dma_wait3A_68] : memref<8x128x32xf32, #tpu.memory_space<vmem>> -> memref<1x128x32xf32, #tpu.memory_space<vmem>>
    %dma_wait3A_70 = tpu.memref_squeeze %dma_wait3A_69 : memref<1x128x32xf32, #tpu.memory_space<vmem>> -> memref<128x32xf32, #tpu.memory_space<vmem>>
    %dma_wait3A_71 = arith.constant 0 : i32
    %dma_wait3A_72 = arith.constant 0 : i32
    %dma_wait3A_73 = tpu.memref_slice %arg4[%add3A, %dma_wait3A_65, %dma_wait3A_71, %dma_wait3A_72] : memref<32x104x128x32xf32, #tpu.memory_space<hbm>> -> memref<1x1x128x32xf32, #tpu.memory_space<hbm>>
    %dma_wait3A_74 = tpu.memref_squeeze %dma_wait3A_73 : memref<1x1x128x32xf32, #tpu.memory_space<hbm>> -> memref<128x32xf32, #tpu.memory_space<hbm>>
    %dma_wait3A_75 = tpu.memref_slice %arg9[%dma_wait3A_66] : memref<8x!tpu.dma_semaphore, #tpu.memory_space<semaphore_mem>> -> memref<1x!tpu.dma_semaphore, #tpu.memory_space<semaphore_mem>>
    %dma_wait3A_76 = tpu.memref_squeeze %dma_wait3A_75 : memref<1x!tpu.dma_semaphore, #tpu.memory_space<semaphore_mem>> -> memref<!tpu.dma_semaphore, #tpu.memory_space<semaphore_mem>>
    %dma_wait3A_77 = arith.constant 0 : i32
    %dma_wait3A_78 = arith.constant 0 : i32
    %dma_wait3A_79 = tpu.memref_slice %arg4[%add3A, %dma_wait3A_65, %dma_wait3A_77, %dma_wait3A_78] : memref<32x104x128x32xf32, #tpu.memory_space<hbm>> -> memref<1x1x128x32xf32, #tpu.memory_space<hbm>>
    %dma_wait3A_80 = tpu.memref_squeeze %dma_wait3A_79 : memref<1x1x128x32xf32, #tpu.memory_space<hbm>> -> memref<128x32xf32, #tpu.memory_space<hbm>>
    %dma_wait3A_81 = arith.constant 0 : i32
    %dma_wait3A_82 = arith.constant 0 : i32
    %dma_wait3A_83 = tpu.memref_slice %arg7[%dma_wait3A, %dma_wait3A_81, %dma_wait3A_82] : memref<8x128x32xf32, #tpu.memory_space<vmem>> -> memref<1x128x32xf32, #tpu.memory_space<vmem>>
    %dma_wait3A_84 = tpu.memref_squeeze %dma_wait3A_83 : memref<1x128x32xf32, #tpu.memory_space<vmem>> -> memref<128x32xf32, #tpu.memory_space<vmem>>
    tpu.wait_dma2 semaphore(%dma_wait3A_76 : memref<!tpu.dma_semaphore, #tpu.memory_space<semaphore_mem>>) src(%dma_wait3A_84 : memref<128x32xf32, #tpu.memory_space<vmem>>) dst(%dma_wait3A_80 : memref<128x32xf32, #tpu.memory_space<hbm>>)
    %dma_wait3A_85 = arith.constant 1 : i32
    %dma_wait3A_86 = arith.constant 97 : i32
    %dma_wait3A_87 = arith.constant 1 : i32
    %dma_wait3A_88 = arith.constant 0 : i32
    %dma_wait3A_89 = arith.constant 0 : i32
    %dma_wait3A_90 = tpu.memref_slice %arg7[%dma_wait3A_85, %dma_wait3A_88, %dma_wait3A_89] : memref<8x128x32xf32, #tpu.memory_space<vmem>> -> memref<1x128x32xf32, #tpu.memory_space<vmem>>
    %dma_wait3A_91 = tpu.memref_squeeze %dma_wait3A_90 : memref<1x128x32xf32, #tpu.memory_space<vmem>> -> memref<128x32xf32, #tpu.memory_space<vmem>>
    %dma_wait3A_92 = arith.constant 0 : i32
    %dma_wait3A_93 = arith.constant 0 : i32
    %dma_wait3A_94 = tpu.memref_slice %arg4[%add3A, %dma_wait3A_86, %dma_wait3A_92, %dma_wait3A_93] : memref<32x104x128x32xf32, #tpu.memory_space<hbm>> -> memref<1x1x128x32xf32, #tpu.memory_space<hbm>>
    %dma_wait3A_95 = tpu.memref_squeeze %dma_wait3A_94 : memref<1x1x128x32xf32, #tpu.memory_space<hbm>> -> memref<128x32xf32, #tpu.memory_space<hbm>>
    %dma_wait3A_96 = tpu.memref_slice %arg9[%dma_wait3A_87] : memref<8x!tpu.dma_semaphore, #tpu.memory_space<semaphore_mem>> -> memref<1x!tpu.dma_semaphore, #tpu.memory_space<semaphore_mem>>
    %dma_wait3A_97 = tpu.memref_squeeze %dma_wait3A_96 : memref<1x!tpu.dma_semaphore, #tpu.memory_space<semaphore_mem>> -> memref<!tpu.dma_semaphore, #tpu.memory_space<semaphore_mem>>
    %dma_wait3A_98 = arith.constant 0 : i32
    %dma_wait3A_99 = arith.constant 0 : i32
    %dma_wait3A_100 = tpu.memref_slice %arg4[%add3A, %dma_wait3A_86, %dma_wait3A_98, %dma_wait3A_99] : memref<32x104x128x32xf32, #tpu.memory_space<hbm>> -> memref<1x1x128x32xf32, #tpu.memory_space<hbm>>
    %dma_wait3A_101 = tpu.memref_squeeze %dma_wait3A_100 : memref<1x1x128x32xf32, #tpu.memory_space<hbm>> -> memref<128x32xf32, #tpu.memory_space<hbm>>
    %dma_wait3A_102 = arith.constant 0 : i32
    %dma_wait3A_103 = arith.constant 0 : i32
    %dma_wait3A_104 = tpu.memref_slice %arg7[%dma_wait3A_85, %dma_wait3A_102, %dma_wait3A_103] : memref<8x128x32xf32, #tpu.memory_space<vmem>> -> memref<1x128x32xf32, #tpu.memory_space<vmem>>
    %dma_wait3A_105 = tpu.memref_squeeze %dma_wait3A_104 : memref<1x128x32xf32, #tpu.memory_space<vmem>> -> memref<128x32xf32, #tpu.memory_space<vmem>>
    tpu.wait_dma2 semaphore(%dma_wait3A_97 : memref<!tpu.dma_semaphore, #tpu.memory_space<semaphore_mem>>) src(%dma_wait3A_105 : memref<128x32xf32, #tpu.memory_space<vmem>>) dst(%dma_wait3A_101 : memref<128x32xf32, #tpu.memory_space<hbm>>)
    %dma_wait3A_106 = arith.constant 2 : i32
    %dma_wait3A_107 = arith.constant 98 : i32
    %dma_wait3A_108 = arith.constant 2 : i32
    %dma_wait3A_109 = arith.constant 0 : i32
    %dma_wait3A_110 = arith.constant 0 : i32
    %dma_wait3A_111 = tpu.memref_slice %arg7[%dma_wait3A_106, %dma_wait3A_109, %dma_wait3A_110] : memref<8x128x32xf32, #tpu.memory_space<vmem>> -> memref<1x128x32xf32, #tpu.memory_space<vmem>>
    %dma_wait3A_112 = tpu.memref_squeeze %dma_wait3A_111 : memref<1x128x32xf32, #tpu.memory_space<vmem>> -> memref<128x32xf32, #tpu.memory_space<vmem>>
    %dma_wait3A_113 = arith.constant 0 : i32
    %dma_wait3A_114 = arith.constant 0 : i32
    %dma_wait3A_115 = tpu.memref_slice %arg4[%add3A, %dma_wait3A_107, %dma_wait3A_113, %dma_wait3A_114] : memref<32x104x128x32xf32, #tpu.memory_space<hbm>> -> memref<1x1x128x32xf32, #tpu.memory_space<hbm>>
    %dma_wait3A_116 = tpu.memref_squeeze %dma_wait3A_115 : memref<1x1x128x32xf32, #tpu.memory_space<hbm>> -> memref<128x32xf32, #tpu.memory_space<hbm>>
    %dma_wait3A_117 = tpu.memref_slice %arg9[%dma_wait3A_108] : memref<8x!tpu.dma_semaphore, #tpu.memory_space<semaphore_mem>> -> memref<1x!tpu.dma_semaphore, #tpu.memory_space<semaphore_mem>>
    %dma_wait3A_118 = tpu.memref_squeeze %dma_wait3A_117 : memref<1x!tpu.dma_semaphore, #tpu.memory_space<semaphore_mem>> -> memref<!tpu.dma_semaphore, #tpu.memory_space<semaphore_mem>>
    %dma_wait3A_119 = arith.constant 0 : i32
    %dma_wait3A_120 = arith.constant 0 : i32
    %dma_wait3A_121 = tpu.memref_slice %arg4[%add3A, %dma_wait3A_107, %dma_wait3A_119, %dma_wait3A_120] : memref<32x104x128x32xf32, #tpu.memory_space<hbm>> -> memref<1x1x128x32xf32, #tpu.memory_space<hbm>>
    %dma_wait3A_122 = tpu.memref_squeeze %dma_wait3A_121 : memref<1x1x128x32xf32, #tpu.memory_space<hbm>> -> memref<128x32xf32, #tpu.memory_space<hbm>>
    %dma_wait3A_123 = arith.constant 0 : i32
    %dma_wait3A_124 = arith.constant 0 : i32
    %dma_wait3A_125 = tpu.memref_slice %arg7[%dma_wait3A_106, %dma_wait3A_123, %dma_wait3A_124] : memref<8x128x32xf32, #tpu.memory_space<vmem>> -> memref<1x128x32xf32, #tpu.memory_space<vmem>>
    %dma_wait3A_126 = tpu.memref_squeeze %dma_wait3A_125 : memref<1x128x32xf32, #tpu.memory_space<vmem>> -> memref<128x32xf32, #tpu.memory_space<vmem>>
    tpu.wait_dma2 semaphore(%dma_wait3A_118 : memref<!tpu.dma_semaphore, #tpu.memory_space<semaphore_mem>>) src(%dma_wait3A_126 : memref<128x32xf32, #tpu.memory_space<vmem>>) dst(%dma_wait3A_122 : memref<128x32xf32, #tpu.memory_space<hbm>>)
    %dma_wait3A_127 = arith.constant 3 : i32
    %dma_wait3A_128 = arith.constant 99 : i32
    %dma_wait3A_129 = arith.constant 3 : i32
    %dma_wait3A_130 = arith.constant 0 : i32
    %dma_wait3A_131 = arith.constant 0 : i32
    %dma_wait3A_132 = tpu.memref_slice %arg7[%dma_wait3A_127, %dma_wait3A_130, %dma_wait3A_131] : memref<8x128x32xf32, #tpu.memory_space<vmem>> -> memref<1x128x32xf32, #tpu.memory_space<vmem>>
    %dma_wait3A_133 = tpu.memref_squeeze %dma_wait3A_132 : memref<1x128x32xf32, #tpu.memory_space<vmem>> -> memref<128x32xf32, #tpu.memory_space<vmem>>
    %dma_wait3A_134 = arith.constant 0 : i32
    %dma_wait3A_135 = arith.constant 0 : i32
    %dma_wait3A_136 = tpu.memref_slice %arg4[%add3A, %dma_wait3A_128, %dma_wait3A_134, %dma_wait3A_135] : memref<32x104x128x32xf32, #tpu.memory_space<hbm>> -> memref<1x1x128x32xf32, #tpu.memory_space<hbm>>
    %dma_wait3A_137 = tpu.memref_squeeze %dma_wait3A_136 : memref<1x1x128x32xf32, #tpu.memory_space<hbm>> -> memref<128x32xf32, #tpu.memory_space<hbm>>
    %dma_wait3A_138 = tpu.memref_slice %arg9[%dma_wait3A_129] : memref<8x!tpu.dma_semaphore, #tpu.memory_space<semaphore_mem>> -> memref<1x!tpu.dma_semaphore, #tpu.memory_space<semaphore_mem>>
    %dma_wait3A_139 = tpu.memref_squeeze %dma_wait3A_138 : memref<1x!tpu.dma_semaphore, #tpu.memory_space<semaphore_mem>> -> memref<!tpu.dma_semaphore, #tpu.memory_space<semaphore_mem>>
    %dma_wait3A_140 = arith.constant 0 : i32
    %dma_wait3A_141 = arith.constant 0 : i32
    %dma_wait3A_142 = tpu.memref_slice %arg4[%add3A, %dma_wait3A_128, %dma_wait3A_140, %dma_wait3A_141] : memref<32x104x128x32xf32, #tpu.memory_space<hbm>> -> memref<1x1x128x32xf32, #tpu.memory_space<hbm>>
    %dma_wait3A_143 = tpu.memref_squeeze %dma_wait3A_142 : memref<1x1x128x32xf32, #tpu.memory_space<hbm>> -> memref<128x32xf32, #tpu.memory_space<hbm>>
    %dma_wait3A_144 = arith.constant 0 : i32
    %dma_wait3A_145 = arith.constant 0 : i32
    %dma_wait3A_146 = tpu.memref_slice %arg7[%dma_wait3A_127, %dma_wait3A_144, %dma_wait3A_145] : memref<8x128x32xf32, #tpu.memory_space<vmem>> -> memref<1x128x32xf32, #tpu.memory_space<vmem>>
    %dma_wait3A_147 = tpu.memref_squeeze %dma_wait3A_146 : memref<1x128x32xf32, #tpu.memory_space<vmem>> -> memref<128x32xf32, #tpu.memory_space<vmem>>
    tpu.wait_dma2 semaphore(%dma_wait3A_139 : memref<!tpu.dma_semaphore, #tpu.memory_space<semaphore_mem>>) src(%dma_wait3A_147 : memref<128x32xf32, #tpu.memory_space<vmem>>) dst(%dma_wait3A_143 : memref<128x32xf32, #tpu.memory_space<hbm>>)
    %dma_wait3A_148 = arith.constant 4 : i32
    %dma_wait3A_149 = arith.constant 100 : i32
    %dma_wait3A_150 = arith.constant 4 : i32
    %dma_wait3A_151 = arith.constant 0 : i32
    %dma_wait3A_152 = arith.constant 0 : i32
    %dma_wait3A_153 = tpu.memref_slice %arg7[%dma_wait3A_148, %dma_wait3A_151, %dma_wait3A_152] : memref<8x128x32xf32, #tpu.memory_space<vmem>> -> memref<1x128x32xf32, #tpu.memory_space<vmem>>
    %dma_wait3A_154 = tpu.memref_squeeze %dma_wait3A_153 : memref<1x128x32xf32, #tpu.memory_space<vmem>> -> memref<128x32xf32, #tpu.memory_space<vmem>>
    %dma_wait3A_155 = arith.constant 0 : i32
    %dma_wait3A_156 = arith.constant 0 : i32
    %dma_wait3A_157 = tpu.memref_slice %arg4[%add3A, %dma_wait3A_149, %dma_wait3A_155, %dma_wait3A_156] : memref<32x104x128x32xf32, #tpu.memory_space<hbm>> -> memref<1x1x128x32xf32, #tpu.memory_space<hbm>>
    %dma_wait3A_158 = tpu.memref_squeeze %dma_wait3A_157 : memref<1x1x128x32xf32, #tpu.memory_space<hbm>> -> memref<128x32xf32, #tpu.memory_space<hbm>>
    %dma_wait3A_159 = tpu.memref_slice %arg9[%dma_wait3A_150] : memref<8x!tpu.dma_semaphore, #tpu.memory_space<semaphore_mem>> -> memref<1x!tpu.dma_semaphore, #tpu.memory_space<semaphore_mem>>
    %dma_wait3A_160 = tpu.memref_squeeze %dma_wait3A_159 : memref<1x!tpu.dma_semaphore, #tpu.memory_space<semaphore_mem>> -> memref<!tpu.dma_semaphore, #tpu.memory_space<semaphore_mem>>
    %dma_wait3A_161 = arith.constant 0 : i32
    %dma_wait3A_162 = arith.constant 0 : i32
    %dma_wait3A_163 = tpu.memref_slice %arg4[%add3A, %dma_wait3A_149, %dma_wait3A_161, %dma_wait3A_162] : memref<32x104x128x32xf32, #tpu.memory_space<hbm>> -> memref<1x1x128x32xf32, #tpu.memory_space<hbm>>
    %dma_wait3A_164 = tpu.memref_squeeze %dma_wait3A_163 : memref<1x1x128x32xf32, #tpu.memory_space<hbm>> -> memref<128x32xf32, #tpu.memory_space<hbm>>
    %dma_wait3A_165 = arith.constant 0 : i32
    %dma_wait3A_166 = arith.constant 0 : i32
    %dma_wait3A_167 = tpu.memref_slice %arg7[%dma_wait3A_148, %dma_wait3A_165, %dma_wait3A_166] : memref<8x128x32xf32, #tpu.memory_space<vmem>> -> memref<1x128x32xf32, #tpu.memory_space<vmem>>
    %dma_wait3A_168 = tpu.memref_squeeze %dma_wait3A_167 : memref<1x128x32xf32, #tpu.memory_space<vmem>> -> memref<128x32xf32, #tpu.memory_space<vmem>>
    tpu.wait_dma2 semaphore(%dma_wait3A_160 : memref<!tpu.dma_semaphore, #tpu.memory_space<semaphore_mem>>) src(%dma_wait3A_168 : memref<128x32xf32, #tpu.memory_space<vmem>>) dst(%dma_wait3A_164 : memref<128x32xf32, #tpu.memory_space<hbm>>)
    %dma_wait3A_169 = arith.constant 5 : i32
    %dma_wait3A_170 = arith.constant 101 : i32
    %dma_wait3A_171 = arith.constant 5 : i32
    %dma_wait3A_172 = arith.constant 0 : i32
    %dma_wait3A_173 = arith.constant 0 : i32
    %dma_wait3A_174 = tpu.memref_slice %arg7[%dma_wait3A_169, %dma_wait3A_172, %dma_wait3A_173] : memref<8x128x32xf32, #tpu.memory_space<vmem>> -> memref<1x128x32xf32, #tpu.memory_space<vmem>>
    %dma_wait3A_175 = tpu.memref_squeeze %dma_wait3A_174 : memref<1x128x32xf32, #tpu.memory_space<vmem>> -> memref<128x32xf32, #tpu.memory_space<vmem>>
    %dma_wait3A_176 = arith.constant 0 : i32
    %dma_wait3A_177 = arith.constant 0 : i32
    %dma_wait3A_178 = tpu.memref_slice %arg4[%add3A, %dma_wait3A_170, %dma_wait3A_176, %dma_wait3A_177] : memref<32x104x128x32xf32, #tpu.memory_space<hbm>> -> memref<1x1x128x32xf32, #tpu.memory_space<hbm>>
    %dma_wait3A_179 = tpu.memref_squeeze %dma_wait3A_178 : memref<1x1x128x32xf32, #tpu.memory_space<hbm>> -> memref<128x32xf32, #tpu.memory_space<hbm>>
    %dma_wait3A_180 = tpu.memref_slice %arg9[%dma_wait3A_171] : memref<8x!tpu.dma_semaphore, #tpu.memory_space<semaphore_mem>> -> memref<1x!tpu.dma_semaphore, #tpu.memory_space<semaphore_mem>>
    %dma_wait3A_181 = tpu.memref_squeeze %dma_wait3A_180 : memref<1x!tpu.dma_semaphore, #tpu.memory_space<semaphore_mem>> -> memref<!tpu.dma_semaphore, #tpu.memory_space<semaphore_mem>>
    %dma_wait3A_182 = arith.constant 0 : i32
    %dma_wait3A_183 = arith.constant 0 : i32
    %dma_wait3A_184 = tpu.memref_slice %arg4[%add3A, %dma_wait3A_170, %dma_wait3A_182, %dma_wait3A_183] : memref<32x104x128x32xf32, #tpu.memory_space<hbm>> -> memref<1x1x128x32xf32, #tpu.memory_space<hbm>>
    %dma_wait3A_185 = tpu.memref_squeeze %dma_wait3A_184 : memref<1x1x128x32xf32, #tpu.memory_space<hbm>> -> memref<128x32xf32, #tpu.memory_space<hbm>>
    %dma_wait3A_186 = arith.constant 0 : i32
    %dma_wait3A_187 = arith.constant 0 : i32
    %dma_wait3A_188 = tpu.memref_slice %arg7[%dma_wait3A_169, %dma_wait3A_186, %dma_wait3A_187] : memref<8x128x32xf32, #tpu.memory_space<vmem>> -> memref<1x128x32xf32, #tpu.memory_space<vmem>>
    %dma_wait3A_189 = tpu.memref_squeeze %dma_wait3A_188 : memref<1x128x32xf32, #tpu.memory_space<vmem>> -> memref<128x32xf32, #tpu.memory_space<vmem>>
    tpu.wait_dma2 semaphore(%dma_wait3A_181 : memref<!tpu.dma_semaphore, #tpu.memory_space<semaphore_mem>>) src(%dma_wait3A_189 : memref<128x32xf32, #tpu.memory_space<vmem>>) dst(%dma_wait3A_185 : memref<128x32xf32, #tpu.memory_space<hbm>>)
    %dma_wait3A_190 = arith.constant 6 : i32
    %dma_wait3A_191 = arith.constant 102 : i32
    %dma_wait3A_192 = arith.constant 6 : i32
    %dma_wait3A_193 = arith.constant 0 : i32
    %dma_wait3A_194 = arith.constant 0 : i32
    %dma_wait3A_195 = tpu.memref_slice %arg7[%dma_wait3A_190, %dma_wait3A_193, %dma_wait3A_194] : memref<8x128x32xf32, #tpu.memory_space<vmem>> -> memref<1x128x32xf32, #tpu.memory_space<vmem>>
    %dma_wait3A_196 = tpu.memref_squeeze %dma_wait3A_195 : memref<1x128x32xf32, #tpu.memory_space<vmem>> -> memref<128x32xf32, #tpu.memory_space<vmem>>
    %dma_wait3A_197 = arith.constant 0 : i32
    %dma_wait3A_198 = arith.constant 0 : i32
    %dma_wait3A_199 = tpu.memref_slice %arg4[%add3A, %dma_wait3A_191, %dma_wait3A_197, %dma_wait3A_198] : memref<32x104x128x32xf32, #tpu.memory_space<hbm>> -> memref<1x1x128x32xf32, #tpu.memory_space<hbm>>
    %dma_wait3A_200 = tpu.memref_squeeze %dma_wait3A_199 : memref<1x1x128x32xf32, #tpu.memory_space<hbm>> -> memref<128x32xf32, #tpu.memory_space<hbm>>
    %dma_wait3A_201 = tpu.memref_slice %arg9[%dma_wait3A_192] : memref<8x!tpu.dma_semaphore, #tpu.memory_space<semaphore_mem>> -> memref<1x!tpu.dma_semaphore, #tpu.memory_space<semaphore_mem>>
    %dma_wait3A_202 = tpu.memref_squeeze %dma_wait3A_201 : memref<1x!tpu.dma_semaphore, #tpu.memory_space<semaphore_mem>> -> memref<!tpu.dma_semaphore, #tpu.memory_space<semaphore_mem>>
    %dma_wait3A_203 = arith.constant 0 : i32
    %dma_wait3A_204 = arith.constant 0 : i32
    %dma_wait3A_205 = tpu.memref_slice %arg4[%add3A, %dma_wait3A_191, %dma_wait3A_203, %dma_wait3A_204] : memref<32x104x128x32xf32, #tpu.memory_space<hbm>> -> memref<1x1x128x32xf32, #tpu.memory_space<hbm>>
    %dma_wait3A_206 = tpu.memref_squeeze %dma_wait3A_205 : memref<1x1x128x32xf32, #tpu.memory_space<hbm>> -> memref<128x32xf32, #tpu.memory_space<hbm>>
    %dma_wait3A_207 = arith.constant 0 : i32
    %dma_wait3A_208 = arith.constant 0 : i32
    %dma_wait3A_209 = tpu.memref_slice %arg7[%dma_wait3A_190, %dma_wait3A_207, %dma_wait3A_208] : memref<8x128x32xf32, #tpu.memory_space<vmem>> -> memref<1x128x32xf32, #tpu.memory_space<vmem>>
    %dma_wait3A_210 = tpu.memref_squeeze %dma_wait3A_209 : memref<1x128x32xf32, #tpu.memory_space<vmem>> -> memref<128x32xf32, #tpu.memory_space<vmem>>
    tpu.wait_dma2 semaphore(%dma_wait3A_202 : memref<!tpu.dma_semaphore, #tpu.memory_space<semaphore_mem>>) src(%dma_wait3A_210 : memref<128x32xf32, #tpu.memory_space<vmem>>) dst(%dma_wait3A_206 : memref<128x32xf32, #tpu.memory_space<hbm>>)
    %dma_wait3A_211 = arith.constant 7 : i32
    %dma_wait3A_212 = arith.constant 103 : i32
    %dma_wait3A_213 = arith.constant 7 : i32
    %dma_wait3A_214 = arith.constant 0 : i32
    %dma_wait3A_215 = arith.constant 0 : i32
    %dma_wait3A_216 = tpu.memref_slice %arg7[%dma_wait3A_211, %dma_wait3A_214, %dma_wait3A_215] : memref<8x128x32xf32, #tpu.memory_space<vmem>> -> memref<1x128x32xf32, #tpu.memory_space<vmem>>
    %dma_wait3A_217 = tpu.memref_squeeze %dma_wait3A_216 : memref<1x128x32xf32, #tpu.memory_space<vmem>> -> memref<128x32xf32, #tpu.memory_space<vmem>>
    %dma_wait3A_218 = arith.constant 0 : i32
    %dma_wait3A_219 = arith.constant 0 : i32
    %dma_wait3A_220 = tpu.memref_slice %arg4[%add3A, %dma_wait3A_212, %dma_wait3A_218, %dma_wait3A_219] : memref<32x104x128x32xf32, #tpu.memory_space<hbm>> -> memref<1x1x128x32xf32, #tpu.memory_space<hbm>>
    %dma_wait3A_221 = tpu.memref_squeeze %dma_wait3A_220 : memref<1x1x128x32xf32, #tpu.memory_space<hbm>> -> memref<128x32xf32, #tpu.memory_space<hbm>>
    %dma_wait3A_222 = tpu.memref_slice %arg9[%dma_wait3A_213] : memref<8x!tpu.dma_semaphore, #tpu.memory_space<semaphore_mem>> -> memref<1x!tpu.dma_semaphore, #tpu.memory_space<semaphore_mem>>
    %dma_wait3A_223 = tpu.memref_squeeze %dma_wait3A_222 : memref<1x!tpu.dma_semaphore, #tpu.memory_space<semaphore_mem>> -> memref<!tpu.dma_semaphore, #tpu.memory_space<semaphore_mem>>
    %dma_wait3A_224 = arith.constant 0 : i32
    %dma_wait3A_225 = arith.constant 0 : i32
    %dma_wait3A_226 = tpu.memref_slice %arg4[%add3A, %dma_wait3A_212, %dma_wait3A_224, %dma_wait3A_225] : memref<32x104x128x32xf32, #tpu.memory_space<hbm>> -> memref<1x1x128x32xf32, #tpu.memory_space<hbm>>
    %dma_wait3A_227 = tpu.memref_squeeze %dma_wait3A_226 : memref<1x1x128x32xf32, #tpu.memory_space<hbm>> -> memref<128x32xf32, #tpu.memory_space<hbm>>
    %dma_wait3A_228 = arith.constant 0 : i32
    %dma_wait3A_229 = arith.constant 0 : i32
    %dma_wait3A_230 = tpu.memref_slice %arg7[%dma_wait3A_211, %dma_wait3A_228, %dma_wait3A_229] : memref<8x128x32xf32, #tpu.memory_space<vmem>> -> memref<1x128x32xf32, #tpu.memory_space<vmem>>
    %dma_wait3A_231 = tpu.memref_squeeze %dma_wait3A_230 : memref<1x128x32xf32, #tpu.memory_space<vmem>> -> memref<128x32xf32, #tpu.memory_space<vmem>>
    tpu.wait_dma2 semaphore(%dma_wait3A_223 : memref<!tpu.dma_semaphore, #tpu.memory_space<semaphore_mem>>) src(%dma_wait3A_231 : memref<128x32xf32, #tpu.memory_space<vmem>>) dst(%dma_wait3A_227 : memref<128x32xf32, #tpu.memory_space<hbm>>)
    return
  }
}

</mosaic_0001>

<sc_bundles>
// kernel: kernel.3.cloned.1.call-start
scs
__scs_entry_jumppad:
0x0: {  	(pc) =	sbr.rel $0x88, $3  }
0x1: {  	(tag) =	ssettag $0x0;
	lr =	simm.s32 $0x1  }
0x2: {  	[smem:$0x3F9F] =	sst lr;
	_ =	strace $0xD0000000  }
0x3: {  	_ = 	snop  }
0x4: {  	_ = 	snop  }
0x5: {  	_ = 	snop  }
0x6: {  	_ = 	snop  }
0x7: {  	_ = 	snop  }
__scs_overlays_trampoline_lowered:
0x8: {  	[smem:$0x3FAE] =	sst s0  }
0x9: {  	[smem:$0x3FAF] =	sst s1  }
0xa: {  	[smem:$0x3FB0] =	sst s2  }
0xb: {  	[smem:$0x3FB1] =	sst s3  }
0xc: {  	[smem:$0x3FB2] =	sst s4  }
0xd: {  	[smem:$0x3FB3] =	sst s5  }
0xe: {  	[smem:$0x3FB4] =	sst s6  }
0xf: {  	[smem:$0x3FB5] =	sst s7  }
0x10: {  	[smem:$0x3FB6] =	sst s8  }
0x11: {  	[smem:$0x3FB7] =	sst s9;
	s0 =	simm.s32 @!p0 $0x0  }
0x12: {  	s1 =	sld [smem:$0x3F9D];
	s0 =	simm.s32 @p0 $0x1  }
0x13: {  	[smem:$0x3FB8] =	sst s0;
	s0 =	simm.s32 @!p1 $0x0  }
0x14: {  	s2 =	sld [smem:$0x3F9C];
	s0 =	simm.s32 @p1 $0x1  }
0x15: {  	[smem:$0x3FB9] =	sst s0;
	s0 =	simm.s32 @!p2 $0x0  }
0x16: {  	s3 =	sld [smem:$0x3FDB];
	s0 =	simm.s32 @p2 $0x1  }
0x17: {  	s4 =	simm.s32 $0x1BF5;
	[smem:$0x3FBB] =	sst s0  }
0x18: {  	s0 =	sld [smem:$0x3F9E];
	_ =	swait.ge [sflag:s4], $0x0  }
0x19: {  	s7 =	sld [smem:$0x3F9F]  }
0x1a: {  	s8 =	sadd.s32 $0xFFFFE003, lr  }
0x1b: {  	s9 =	sadd.s32 $0xFFFFFEF7, lr;
	s5 =	simm.s32 $0xFFFFFFFF;
	p2 =	slt.u32 s8, $0xFFFFF086  }
0x1c: {  	p1 =	slt.u32 s9, $0xF7A;
	s5 =	simm.s32 @!p2 $0x0  }
0x1d: {  	s5 =	simm.s32 @p1 $0x1;
	p0 =	seq.s32 s7, s2  }
0x1e: {  	s7 =	smul.u32 @!p0 $0xF7A, s2;
	p2 =	seq.s32 @!p0 s5, $0x0  }
0x1f: {  	s9 =	smul.u32 $0xF7A, s1;
	s8 =	simm.s32 @!p0 $0x1BF5;
	p2 =	por !p2, p0  }
0x20: {  	[sflag:s8] =	ssyncset.s32 @!p0 $0xFFFFF086;
	s6 =	sadd.s32 @!p0 s3, s7;
	s7 =	simm.s32 @!p0 $0x108  }
0x21: {  	s3 =	sadd.s32 s3, s9;
	s6 =	sadd.s32 @!p0 $0x88, s6;
	s7 =	simm.s32 @p2 $0x1082  }
0x22: {  	[simem:s7], [sflag:s8] =	dma.local @!p0 [hbm:s6], $0xF7A  }
0x23: {  	s9 =	sor.u32 $0xD0000000, s2;
	s6 =	simm.s32 $0x108;
	_ =	swait.ge @!p0 [sflag:s8], $0x0  }
0x24: {  	s3 =	sadd.s32 $0x88, s3;
	s6 =	simm.s32 @!p1 $0x1082;
	[sflag:s4] =	ssyncset.s32 $0xFFFFF086  }
0x25: {  	[simem:s6], [sflag:s4] =	dma.local [hbm:s3], $0xF7A  }
0x26: {  	[smem:$0x3F9F] =	sst s1;
	(tag) =	ssettag s2;
	_ =	strace s9  }
0x27: {  	s1 =	sld [smem:$0x3FAF]  }
0x28: {  	s2 =	sld [smem:$0x3FB0]  }
0x29: {  	s4 =	sld [smem:$0x3FB2]  }
0x2a: {  	p0 =	seq.s32 s5, $0x0;
	s5 =	sld [smem:$0x3FB3]  }
0x2b: {  	s6 =	sld [smem:$0x3FB4]  }
0x2c: {  	s7 =	sld [smem:$0x3FB5]  }
0x2d: {  	s3 =	simm.s32 $0x108;
	s8 =	sld [smem:$0x3FB6]  }
0x2e: {  	s3 =	simm.s32 @!p0 $0x1082;
	s9 =	sld [smem:$0x3FB7]  }
0x2f: {  	lr =	sadd.s32 s0, s3;
	s0 =	sld [smem:$0x3FAE]  }
0x30: {  	s3 =	sld [smem:$0x3FB1]  }
0x31: {  	[smem:$0x3FBA] =	sst s10  }
0x32: {  	s10 =	sld [smem:$0x3FB8];
	_ =	sdelay $0x3  }
0x33: {  	p0 =	seq.s32 s10, $0x1;
	s10 =	sld [smem:$0x3FBA];
	_ =	sdelay $0x3  }
0x34: {  	[smem:$0x3FBA] =	sst s10  }
0x35: {  	s10 =	sld [smem:$0x3FB9];
	_ =	sdelay $0x3  }
0x36: {  	p1 =	seq.s32 s10, $0x1;
	s10 =	sld [smem:$0x3FBA];
	_ =	sdelay $0x3  }
0x37: {  	[smem:$0x3FBA] =	sst s10  }
0x38: {  	s10 =	sld [smem:$0x3FBB]  }
0x39: {  	_ = 	snop;
	(pc) =	sbr.ind lr, $3  }
0x3a: {  	_ = 	snop  }
0x3b: {  	_ = 	snop  }
0x3c: {  	p2 =	seq.s32 s10, $0x1;
	s10 =	sld [smem:$0x3FBA]  }
0x3d: {  	_ =	shalt  }
0x3e: {  	_ =	shalt  }
0x3f: {  	_ =	shalt  }
0x40: {  	_ =	shalt  }
0x41: {  	_ =	shalt  }
0x42: {  	_ =	shalt  }
0x43: {  	_ =	shalt  }
0x44: {  	_ =	shalt  }
0x45: {  	_ =	shalt  }
0x46: {  	_ =	shalt  }
0x47: {  	_ =	shalt  }
0x48: {  	_ =	shalt  }
0x49: {  	_ =	shalt  }
0x4a: {  	_ =	shalt  }
0x4b: {  	_ =	shalt  }
0x4c: {  	_ =	shalt  }
0x4d: {  	_ =	shalt  }
0x4e: {  	_ =	shalt  }
0x4f: {  	_ =	shalt  }
0x50: {  	_ =	shalt  }
0x51: {  	_ =	shalt  }
0x52: {  	_ =	shalt  }
0x53: {  	_ =	shalt  }
0x54: {  	_ =	shalt  }
0x55: {  	_ =	shalt  }
0x56: {  	_ =	shalt  }
0x57: {  	_ =	shalt  }
0x58: {  	_ =	shalt  }
0x59: {  	_ =	shalt  }
0x5a: {  	_ =	shalt  }
0x5b: {  	_ =	shalt  }
0x5c: {  	_ =	shalt  }
0x5d: {  	_ =	shalt  }
0x5e: {  	_ =	shalt  }
0x5f: {  	_ =	shalt  }
0x60: {  	_ =	shalt  }
0x61: {  	_ =	shalt  }
0x62: {  	_ =	shalt  }
0x63: {  	_ =	shalt  }
0x64: {  	_ =	shalt  }
0x65: {  	_ =	shalt  }
0x66: {  	_ =	shalt  }
0x67: {  	_ =	shalt  }
0x68: {  	_ =	shalt  }
0x69: {  	_ =	shalt  }
0x6a: {  	_ =	shalt  }
0x6b: {  	_ =	shalt  }
0x6c: {  	_ =	shalt  }
0x6d: {  	_ =	shalt  }
0x6e: {  	_ =	shalt  }
0x6f: {  	_ =	shalt  }
0x70: {  	_ =	shalt  }
0x71: {  	_ =	shalt  }
0x72: {  	_ =	shalt  }
0x73: {  	_ =	shalt  }
0x74: {  	_ =	shalt  }
0x75: {  	_ =	shalt  }
0x76: {  	_ =	shalt  }
0x77: {  	_ =	shalt  }
0x78: {  	_ =	shalt  }
0x79: {  	_ =	shalt  }
0x7a: {  	_ =	shalt  }
0x7b: {  	_ =	shalt  }
0x7c: {  	_ =	shalt  }
0x7d: {  	_ =	shalt  }
0x7e: {  	_ =	shalt  }
0x7f: {  	_ =	shalt  }
0x80: {  	_ =	shalt  }
0x81: {  	_ =	shalt  }
0x82: {  	_ =	shalt  }
0x83: {  	_ =	shalt  }
0x84: {  	_ =	shalt  }
0x85: {  	_ =	shalt  }
0x86: {  	_ =	shalt  }
0x87: {  	_ =	shalt  }
.Lfunc_end0:
.L_simem_size_0:
called_computation.1_lowered:
.L_overlay_start_0:
0x88: {  	s2 =	sld [smem:$0x3FD9]  }
0x89: {  	s3 =	sld [smem:$0x3FFE];
	_ =	sdelay $0x1  }
0x8a: {  	s1 =	srdreg.scid  }
0x8b: {  	s0 =	sand.u32 $0x1, s1  }
0x8c: {  	s17 =	sshll.u32 s0, $0xA;
	s2 =	sadd.s32 s3, s2  }
0x8d: {  	s2 =	sadd.s32 s2, s17  }
0x8e: {  	[smem:$0x3FC6] =	sst s2  }
0x8f: {  	_ = 	snop  }
0x90: {  	s2 =	sld [smem:$0x3FD0];
	(tm) =	ssettm $0x1  }
0x91: {  	s18 =	sld [smem:$0x3FFB];
	_ =	sdelay $0x3  }
0x92: {  	_ =	strace s18  }
0x93: {  	s3 =	sld [smem:$0x3FFC];
	_ =	sdelay $0x3  }
0x94: {  	_ =	strace s3  }
0x95: {  	s3 =	sld [smem:$0x3FFD];
	_ =	sdelay $0x3  }
0x96: {  	_ =	strace s3  }
0x97: {  	_ =	strace $0x8FFFFFFF  }
0x98: {  	s19 =	sld [smem:$0x3FDB];
	_ =	sdelay $0x1  }
0x99: {  	s4 =	simm.s32 $_scs_section_size  }
0x9a: {  	s5 =	simm.s32 $_size__tile_overlayer_lowered;
	s6 =	simm.s32 $_tile_overlayer_lowered  }
0x9b: {  	s22 =	simm.s32 $0x1BFF;
	s21 =	sshll.u32 s6, $0x1;
	s3 =	sadd.s32 s4, s19  }
0x9c: {  	s7 =	simm.s32 $0x0;
	s20 =	sshll.u32 s5, $0x1;
	s5 =	sadd.s32 s21, s3  }
0x9d: {  	[timem:s7], [sflag:s22] =	dma.local [hbm:s5], s20  }
0x9e: {  	_ =	swait.ge [sflag:s22], s20  }
0x9f: {  	s4 =	ssub.s32 $0x0, s20;
	[sflag:s22] =	ssyncset.done $0x0  }
0xa0: {  	[sflag:s22] =	ssyncadd.s32 s4;
	_ =	sdelay $0x1  }
0xa1: {  	s23 =	simm.s32 $0x1B8B  }
0xa2: {  	_ =	swait.ge [sflag:s23], $0x1  }
0xa3: {  	[sflag:s23] =	ssyncset.done $0x0  }
0xa4: {  	s25 =	simm.s32 $0x1B8E;
	s24 =	sld [smem:$0x3FFE];
	[sflag:s23] =	ssyncadd.s32 $0xFFFFFFFF  }
0xa5: {  	s26 =	simm.s32 $execute0_lowered;
	[smem:$0x3FD2] =	sst s25  }
0xa6: {  	s5 =	sshll.u32 s26, $0x1;
	_ =	strace $0x80000046;
	[dreg:$0x1] =	wrdreg $0xFFFFFFFF  }
0xa7: {  	s28 =	simm.s32 $_size_execute0_lowered;
	s3 =	sadd.s32 s3, s5;
	[dreg:$0x0] =	wrdreg $0x0  }
0xa8: {  	s5 =	sshll.u32 s28, $0x1;
	[dreg:$0x2] =	wrdreg s3  }
0xa9: {  	[dreg:$0x3] =	wrdreg s5  }
0xaa: {  	[dreg:$0x4] =	wrdreg $0xC0  }
0xab: {  	_ =	task [dreg:s7], $0x5FFFF  }
0xac: {  	[dreg:$0x1] =	wrdreg $0xFFFFFFFF  }
0xad: {  	[dreg:$0x0] =	wrdreg $0x60  }
0xae: {  	[dreg:$0x2] =	wrdreg s24  }
0xaf: {  	[dreg:$0x3] =	wrdreg s2  }
0xb0: {  	[dreg:$0x4] =	wrdreg $0x9  }
0xb1: {  	_ =	task.clear_ibuf [dreg:s7], $0x5FFFF;
	_ =	strace $0x90000046  }
0xb2: {  	s29 =	simm.s32 $0x9;
	_ =	strace $0x80000048  }
0xb3: {  	_ =	swait.ge [sflag:s29], $0x1  }
0xb4: {  	[sflag:s29] =	ssyncadd.s32 $0xFFFFFFFF  }
0xb5: {  	_ =	strace $0x90000048  }
0xb6: {  	_ =	sfence  }
0xb7: {  	s30 =	sld [smem:$0x0];
	_ =	sdelay $0x2  }
0xb8: {  	s31 =	sshll.u32 s1, $0xD;
	s1 =	sshrl.u32 s1, $0x2  }
0xb9: {  	s3 =	sand.u32 $0x4000, s31;
	s1 =	sadd.s32 s1, s30  }
0xba: {  	s0 =	sor.u32 s3, s0;
	s1 =	sshll.u32 s1, $0x11  }
0xbb: {  	s0 =	sor.u32 s1, s0  }
0xbc: {  	s0 =	sadd.s32 $0x8F2B, s0  }
0xbd: {  	[sflag:s0] =	ssyncadd.remote.s32 $0x1  }
0xbe: {  	_ =	sfence.sel $0xFFFF  }
0xbf: {  	[dreg:$0x0] =	wrdreg $0xFFFFFFFF;
	(pc) =	sbr.abs _section_cstart, $3  }
0xc0: {  	[dreg:$0x1] =	wrdreg $0xFFFFFFFF  }
0xc1: {  	_ =	task.clear_ibuf [dreg:s7], $0x2FFFF;
	_ =	strace $0x9FFFFFFF  }
0xc2: {  	(tm) =	ssettm $0x7FFFFFFF  }
0xc3: {  	_ =	shalt  }
tec
execute0_lowered:
.L_overlay_start_1:
0x0: {  	(tag) =	ssettag $0x1  }
0x1: {  	s0 =	srdreg.scid;
	s3 =	rddreg [dreg:$0x0]  }
0x2: {  	s2 =	stileid.u32;
	s4 =	rddreg [dreg:$0x1]  }
0x3: {  	s9 =	simm.s32 $0x4400;
	s11 =	simm.s32 $0x5400;
	s13 =	simm.s32 $0x6400  }
0x4: {  	s14 =	simm.s32 $0x7400;
	s15 =	simm.s32 $0x1;
	s16 =	simm.s32 $0x8400  }
0x5: {  	s10 =	simm.s32 $0x10;
	s12 =	simm.s32 $0x0;
	s0 =	sand.u32 $0x1, s0  }
0x6: {  	s1 =	sshll.u32 s2, $0x1;
	s5 =	smul.u32 $0xD0000, s2;
	s2 =	simm.s32 $0x0  }
0x7: {  	s1 =	sor.u32 s0, s1;
	s6 =	smul.u32 $0x68000, s0;
	s0 =	ssub.s32 $0x2, s0  }
0x8: {  	[smem:$0x7FF] =	sst s2;
	s1 =	smul.u32 $0x680, s1;
	s7 =	sshrl.u32 s0, $0x1  }
0x9: {  	_ =	strace $0x80000047;
	s5 =	sadd.s32 s6, s5;
	s0 =	ssub.s32 s0, s7  }
0xa: {  	s7 =	simm.s32 $0x80;
	s1 =	sadd.s32 s1, s3;
	s3 =	sadd.s32 $0xDE00, s3  }
0xb: {  	s6 =	sor.u32 $0x3000, s5;
	s8 =	sor.u32 $0x2000, s5;
	s19 =	sor.u32 $0x1000, s5  }
0xc: {  	s21 =	sshrl.u32 s5, $0x3;
	s22 =	sor.u32 $0x7000, s5;
	s26 =	sor.u32 $0x6000, s5  }
0xd: {  	s29 =	sor.u32 $0x5000, s5;
	s5 =	sor.u32 $0x4000, s5;
	s0 =	smax.u32 s0, $0x1  }
0xe: {  	s6 =	sshrl.u32 s6, $0x3;
	s17 =	sshrl.u32 s8, $0x3;
	s1 =	sadd.s32 $0xE00, s1  }
0xf: {  	s20 =	sshrl.u32 s19, $0x3;
	s23 =	sadd.s32 s21, s4;
	s24 =	sshrl.u32 s22, $0x3  }
0x10: {  	s28 =	sshrl.u32 s26, $0x3;
	s5 =	sshrl.u32 s5, $0x3;
	[dreg:$0xc] =	wrdreg s0  }
0x11: {  	s8 =	simm.s32 $0x3400;
	s19 =	simm.s32 $0x3;
	[dreg:$0xb] =	wrdreg s1  }
0x12: {  	s21 =	simm.s32 $0x4;
	s6 =	sadd.s32 s6, s4;
	[dreg:$0x6] =	wrdreg s23  }
0x13: {  	s22 =	simm.s32 $0x5;
	s18 =	sadd.s32 s17, s4;
	[dreg:$0x3] =	wrdreg s6  }
0x14: {  	s1 =	sadd.s32 s20, s4;
	s25 =	sadd.s32 s24, s4;
	[dreg:$0x4] =	wrdreg s18  }
0x15: {  	s31 =	sadd.s32 s5, s4;
	s17 =	simm.s32 $0x2;
	[dreg:$0x5] =	wrdreg s1  }
0x16: {  	s20 =	simm.s32 $0xA400;
	s23 =	simm.s32 $0x6;
	[dreg:$0x7] =	wrdreg s25  }
0x17: {  	s1 =	sadd.s32 s28, s4;
	s6 =	sshrl.u32 s29, $0x3;
	[dreg:$0xa] =	wrdreg s31  }
0x18: {  	s24 =	simm.s32 $0x7;
	[dreg:$0x8] =	wrdreg s1;
	s30 =	sadd.s32 s6, s4  }
0x19: {  	s18 =	simm.s32 $0x9400;
	s25 =	simm.s32 $0x8;
	[dreg:$0x9] =	wrdreg s30  }
.LBB2_1:
0x1a: {  	s0 =	rddreg [dreg:$0xb];
	s5 =	simm.s32 $0x11  }
0x1b: {  	[tilespmem:s2], [sflag:$0x11] =	stream.linear.gather [hbm4b:s0+s2], $0x3400, $0x38;
	[tilespmem:$0xB400] =	vst v63  }
0x1c: {  	_ =	swait.ge [sflag:s5], $0x3400  }
0x1d: {  	[sflag:s5] =	ssyncset.done $0x0  }
0x1e: {  	[sflag:s5] =	ssyncadd.s32 $0xFFFFCC00  }
0x1f: {  	[tilespmem:s8], [sflag:$0x1] =	stream.indirect.gather [hbm4b:s3+s7], $0x20, s2, s7, $0xb8;
	[tilespmem:$0xB400] =	vst v63  }
0x20: {  	p0 =	por $0x1, $0x1  }
0x21: {  	[tilespmem:s9], [sflag:$0x2] =	stream.indirect.gather [hbm4b:s3+s7], $0x20, s7, s7, $0xb8;
	[tilespmem:$0xB400] =	vst v63  }
0x22: {  	s6 =	simm.s32 $0x100;
	p0 =	por p0, p0  }
0x23: {  	[tilespmem:s11], [sflag:$0x3] =	stream.indirect.gather [hbm4b:s3+s7], $0x20, s6, s7, $0xb8;
	[tilespmem:$0xB400] =	vst v63  }
0x24: {  	s26 =	simm.s32 $0x180;
	s4 =	simm.s32 @!p0 $0xD  }
0x25: {  	[tilespmem:s13], [sflag:$0x4] =	stream.indirect.gather [hbm4b:s3+s7], $0x20, s26, s7, $0xb8;
	[tilespmem:$0xB400] =	vst v63  }
0x26: {  	_ =	swait.ge @!p0 [sflag:s4], $0x1000  }
0x27: {  	[sflag:s4] =	ssyncset.done @!p0 $0x0  }
0x28: {  	s29 =	simm.s32 $0x200;
	[sflag:s4] =	ssyncadd.s32 @!p0 $0xFFFFF000  }
0x29: {  	[tilespmem:s14], [sflag:$0x5] =	stream.indirect.gather [hbm4b:s3+s7], $0x20, s29, s7, $0xb8;
	[tilespmem:$0xB400] =	vst v63  }
0x2a: {  	_ =	swait.ge [sflag:s15], $0x1000  }
0x2b: {  	s30 =	rddreg [dreg:$0x6];
	[sflag:s15] =	ssyncset.done $0x0  }
0x2c: {  	s5 =	simm.s32 @!p0 $0xE;
	[sflag:s15] =	ssyncadd.s32 $0xFFFFF000;
	s4 =	sadd.s32 $0x0, s30  }
0x2d: {  	[hbm4b:s4+s2] =	stream.linear.scatter [tilespmem:s8], [sflag:$0x9], $0x1000, $0x38;
	[tilespmem:$0xB400] =	vst v63  }
0x2e: {  	_ =	swait.ge @!p0 [sflag:s5], $0x1000  }
0x2f: {  	[sflag:s5] =	ssyncset.done @!p0 $0x0  }
0x30: {  	s31 =	simm.s32 $0x280;
	[sflag:s5] =	ssyncadd.s32 @!p0 $0xFFFFF000  }
0x31: {  	[tilespmem:s16], [sflag:$0x6] =	stream.indirect.gather [hbm4b:s3+s7], $0x20, s31, s7, $0xb8;
	[tilespmem:$0xB400] =	vst v63  }
0x32: {  	_ =	swait.ge [sflag:s17], $0x1000  }
0x33: {  	s0 =	rddreg [dreg:$0x5];
	[sflag:s17] =	ssyncset.done $0x0  }
0x34: {  	s5 =	simm.s32 @!p0 $0xF;
	[sflag:s17] =	ssyncadd.s32 $0xFFFFF000;
	s4 =	sadd.s32 $0x0, s0  }
0x35: {  	[hbm4b:s4+s2] =	stream.linear.scatter [tilespmem:s9], [sflag:$0xA], $0x1000, $0x38;
	[tilespmem:$0xB400] =	vst v63  }
0x36: {  	_ =	swait.ge @!p0 [sflag:s5], $0x1000  }
0x37: {  	[sflag:s5] =	ssyncset.done @!p0 $0x0  }
0x38: {  	s1 =	simm.s32 $0x300;
	[sflag:s5] =	ssyncadd.s32 @!p0 $0xFFFFF000  }
0x39: {  	[tilespmem:s18], [sflag:$0x7] =	stream.indirect.gather [hbm4b:s3+s7], $0x20, s1, s7, $0xb8;
	[tilespmem:$0xB400] =	vst v63  }
0x3a: {  	_ =	swait.ge [sflag:s19], $0x1000  }
0x3b: {  	s5 =	rddreg [dreg:$0x4];
	[sflag:s19] =	ssyncset.done $0x0  }
0x3c: {  	[sflag:s19] =	ssyncadd.s32 $0xFFFFF000;
	s4 =	sadd.s32 $0x0, s5;
	s5 =	simm.s32 @!p0 $0x10  }
0x3d: {  	[hbm4b:s4+s2] =	stream.linear.scatter [tilespmem:s11], [sflag:$0xB], $0x1000, $0x38;
	[tilespmem:$0xB400] =	vst v63  }
0x3e: {  	_ =	swait.ge @!p0 [sflag:s5], $0x1000  }
0x3f: {  	[sflag:s5] =	ssyncset.done @!p0 $0x0  }
0x40: {  	s6 =	simm.s32 $0x380;
	[sflag:s5] =	ssyncadd.s32 @!p0 $0xFFFFF000  }
0x41: {  	[tilespmem:s20], [sflag:$0x8] =	stream.indirect.gather [hbm4b:s3+s7], $0x20, s6, s7, $0xb8;
	[tilespmem:$0xB400] =	vst v63  }
0x42: {  	_ =	swait.ge [sflag:s21], $0x1000  }
0x43: {  	s26 =	rddreg [dreg:$0x3];
	[sflag:s21] =	ssyncset.done $0x0  }
0x44: {  	p0 =	por $0x0, $0x0;
	[sflag:s21] =	ssyncadd.s32 $0xFFFFF000;
	s4 =	sadd.s32 $0x0, s26  }
0x45: {  	[hbm4b:s4+s2] =	stream.linear.scatter [tilespmem:s13], [sflag:$0xC], $0x1000, $0x38;
	[tilespmem:$0xB400] =	vst v63  }
0x46: {  	s4 =	simm.s32 @!p0 $0x9  }
0x47: {  	_ =	swait.ge @!p0 [sflag:s4], $0x1000  }
0x48: {  	s5 =	simm.s32 @!p0 $0x400;
	[sflag:s4] =	ssyncset.done @!p0 $0x0  }
0x49: {  	s6 =	simm.s32 @!p0 $0x80;
	s26 =	simm.s32 @!p0 $0x3400;
	[sflag:s4] =	ssyncadd.s32 @!p0 $0xFFFFF000  }
0x4a: {  	[tilespmem:s26], [sflag:$0x1] =	stream.indirect.gather @!p0 [hbm4b:s3+s6], $0x20, s5, s6, $0xb8;
	[tilespmem:$0xB400] =	vst v63  }
0x4b: {  	_ =	swait.ge [sflag:s22], $0x1000  }
0x4c: {  	s29 =	rddreg [dreg:$0xa];
	[sflag:s22] =	ssyncset.done $0x0  }
0x4d: {  	s5 =	simm.s32 @!p0 $0xA;
	[sflag:s22] =	ssyncadd.s32 $0xFFFFF000;
	s4 =	sadd.s32 $0x0, s29  }
0x4e: {  	[hbm4b:s4+s2] =	stream.linear.scatter [tilespmem:s14], [sflag:$0xD], $0x1000, $0x38;
	[tilespmem:$0xB400] =	vst v63  }
0x4f: {  	_ =	swait.ge @!p0 [sflag:s5], $0x1000  }
0x50: {  	[sflag:s5] =	ssyncset.done @!p0 $0x0  }
0x51: {  	s26 =	simm.s32 @!p0 $0x4400;
	s4 =	simm.s32 @!p0 $0x480;
	[sflag:s5] =	ssyncadd.s32 @!p0 $0xFFFFF000  }
0x52: {  	[tilespmem:s26], [sflag:$0x2] =	stream.indirect.gather @!p0 [hbm4b:s3+s6], $0x20, s4, s6, $0xb8;
	[tilespmem:$0xB400] =	vst v63  }
0x53: {  	_ =	swait.ge [sflag:s23], $0x1000  }
0x54: {  	s30 =	rddreg [dreg:$0x9];
	[sflag:s23] =	ssyncset.done $0x0  }
0x55: {  	s5 =	simm.s32 @!p0 $0xB;
	[sflag:s23] =	ssyncadd.s32 $0xFFFFF000;
	s4 =	sadd.s32 $0x0, s30  }
0x56: {  	[hbm4b:s4+s2] =	stream.linear.scatter [tilespmem:s16], [sflag:$0xE], $0x1000, $0x38;
	[tilespmem:$0xB400] =	vst v63  }
0x57: {  	_ =	swait.ge @!p0 [sflag:s5], $0x1000  }
0x58: {  	[sflag:s5] =	ssyncset.done @!p0 $0x0  }
0x59: {  	s26 =	simm.s32 @!p0 $0x5400;
	s4 =	simm.s32 @!p0 $0x500;
	[sflag:s5] =	ssyncadd.s32 @!p0 $0xFFFFF000  }
0x5a: {  	[tilespmem:s26], [sflag:$0x3] =	stream.indirect.gather @!p0 [hbm4b:s3+s6], $0x20, s4, s6, $0xb8;
	[tilespmem:$0xB400] =	vst v63  }
0x5b: {  	_ =	swait.ge [sflag:s24], $0x1000  }
0x5c: {  	s31 =	rddreg [dreg:$0x8];
	[sflag:s24] =	ssyncset.done $0x0  }
0x5d: {  	s5 =	simm.s32 @!p0 $0xC;
	[sflag:s24] =	ssyncadd.s32 $0xFFFFF000;
	s4 =	sadd.s32 $0x0, s31  }
0x5e: {  	[hbm4b:s4+s2] =	stream.linear.scatter [tilespmem:s18], [sflag:$0xF], $0x1000, $0x38;
	[tilespmem:$0xB400] =	vst v63  }
0x5f: {  	_ =	swait.ge @!p0 [sflag:s5], $0x1000  }
0x60: {  	p6 =	por $0x0, $0x0;
	[sflag:s5] =	ssyncset.done @!p0 $0x0  }
0x61: {  	s28 =	simm.s32 @!p0 $0x6400;
	s26 =	simm.s32 @!p0 $0x580;
	[sflag:s5] =	ssyncadd.s32 @!p0 $0xFFFFF000  }
0x62: {  	[tilespmem:s28], [sflag:$0x4] =	stream.indirect.gather @!p0 [hbm4b:s3+s6], $0x20, s26, s6, $0xb8;
	[tilespmem:$0xB400] =	vst v63  }
0x63: {  	s4 =	simm.s32 $0x1000;
	s5 =	simm.s32 $0x2000;
	_ =	swait.ge [sflag:s25], $0x1000  }
0x64: {  	p0 =	por p6, p6;
	s6 =	simm.s32 $0x0;
	[sflag:s25] =	ssyncset.done $0x0  }
0x65: {  	s28 =	simm.s32 @!p0 $0xD;
	s26 =	rddreg [dreg:$0x7];
	[sflag:s25] =	ssyncadd.s32 $0xFFFFF000  }
.LBB2_2:
0x66: {  	s26 =	sadd.s32 s6, s26  }
0x67: {  	[hbm4b:s26+s2] =	stream.linear.scatter [tilespmem:s20], [sflag:$0x10], $0x1000, $0x38;
	[tilespmem:$0xB400] =	vst v63  }
0x68: {  	s6 =	smov.u32 s4;
	_ =	swait.ge @!p0 [sflag:s28], $0x1000  }
0x69: {  	s0 =	sshra.s32 s6, $0x2;
	[sflag:s28] =	ssyncset.done @!p0 $0x0  }
0x6a: {  	[sflag:s28] =	ssyncadd.s32 @!p0 $0xFFFFF000;
	s28 =	sadd.s32 $0x200, s0  }
0x6b: {  	[tilespmem:s14], [sflag:$0x5] =	stream.indirect.gather [hbm4b:s3+s7], $0x20, s28, s7, $0xb8;
	[tilespmem:$0xB400] =	vst v63  }
0x6c: {  	_ =	swait.ge [sflag:s15], $0x1000  }
0x6d: {  	s28 =	rddreg [dreg:$0x6];
	[sflag:s15] =	ssyncset.done $0x0  }
0x6e: {  	s29 =	simm.s32 @!p0 $0xE;
	[sflag:s15] =	ssyncadd.s32 $0xFFFFF000;
	s28 =	sadd.s32 s6, s28  }
0x6f: {  	[hbm4b:s28+s2] =	stream.linear.scatter [tilespmem:s8], [sflag:$0x9], $0x1000, $0x38;
	[tilespmem:$0xB400] =	vst v63  }
0x70: {  	_ =	swait.ge @!p0 [sflag:s29], $0x1000  }
0x71: {  	[sflag:s29] =	ssyncset.done @!p0 $0x0  }
0x72: {  	s28 =	sadd.s32 $0x280, s0;
	[sflag:s29] =	ssyncadd.s32 @!p0 $0xFFFFF000  }
0x73: {  	[tilespmem:s16], [sflag:$0x6] =	stream.indirect.gather [hbm4b:s3+s7], $0x20, s28, s7, $0xb8;
	[tilespmem:$0xB400] =	vst v63  }
0x74: {  	_ =	swait.ge [sflag:s17], $0x1000  }
0x75: {  	s28 =	rddreg [dreg:$0x5];
	[sflag:s17] =	ssyncset.done $0x0  }
0x76: {  	s29 =	simm.s32 @!p0 $0xF;
	[sflag:s17] =	ssyncadd.s32 $0xFFFFF000;
	s28 =	sadd.s32 s6, s28  }
0x77: {  	[hbm4b:s28+s2] =	stream.linear.scatter [tilespmem:s9], [sflag:$0xA], $0x1000, $0x38;
	[tilespmem:$0xB400] =	vst v63  }
0x78: {  	_ =	swait.ge @!p0 [sflag:s29], $0x1000  }
0x79: {  	[sflag:s29] =	ssyncset.done @!p0 $0x0  }
0x7a: {  	s28 =	sadd.s32 $0x300, s0;
	[sflag:s29] =	ssyncadd.s32 @!p0 $0xFFFFF000  }
0x7b: {  	[tilespmem:s18], [sflag:$0x7] =	stream.indirect.gather [hbm4b:s3+s7], $0x20, s28, s7, $0xb8;
	[tilespmem:$0xB400] =	vst v63  }
0x7c: {  	_ =	swait.ge [sflag:s19], $0x1000  }
0x7d: {  	s28 =	rddreg [dreg:$0x4];
	[sflag:s19] =	ssyncset.done $0x0  }
0x7e: {  	s29 =	simm.s32 @!p0 $0x10;
	[sflag:s19] =	ssyncadd.s32 $0xFFFFF000;
	s28 =	sadd.s32 s6, s28  }
0x7f: {  	[hbm4b:s28+s2] =	stream.linear.scatter [tilespmem:s11], [sflag:$0xB], $0x1000, $0x38;
	[tilespmem:$0xB400] =	vst v63  }
0x80: {  	_ =	swait.ge @!p0 [sflag:s29], $0x1000  }
0x81: {  	[sflag:s29] =	ssyncset.done @!p0 $0x0  }
0x82: {  	p2 =	seq.s32 s5, $0x0;
	s26 =	sadd.s32 $0x380, s0;
	[sflag:s29] =	ssyncadd.s32 @!p0 $0xFFFFF000  }
0x83: {  	[tilespmem:s20], [sflag:$0x8] =	stream.indirect.gather [hbm4b:s3+s7], $0x20, s26, s7, $0xb8;
	[tilespmem:$0xB400] =	vst v63  }
0x84: {  	p0 =	por p2, p2;
	_ =	swait.ge [sflag:s21], $0x1000  }
0x85: {  	p2 =	seq.s32 s6, $0xC000;
	s1 =	rddreg [dreg:$0x3];
	[sflag:s21] =	ssyncset.done $0x0  }
0x86: {  	s28 =	simm.s32 @!p2 $0x9;
	[sflag:s21] =	ssyncadd.s32 $0xFFFFF000;
	s26 =	sadd.s32 s6, s1  }
0x87: {  	[hbm4b:s26+s2] =	stream.linear.scatter [tilespmem:s13], [sflag:$0xC], $0x1000, $0x38;
	[tilespmem:$0xB400] =	vst v63  }
0x88: {  	s29 =	sshra.s32 @!p2 s6, $0x2;
	_ =	swait.ge @!p2 [sflag:s28], $0x1000  }
0x89: {  	s30 =	sadd.s32 @!p2 $0x400, s29;
	[sflag:s28] =	ssyncset.done @!p2 $0x0  }
0x8a: {  	s1 =	simm.s32 @!p2 $0x3400;
	s26 =	simm.s32 @!p2 $0x80;
	[sflag:s28] =	ssyncadd.s32 @!p2 $0xFFFFF000  }
0x8b: {  	[tilespmem:s1], [sflag:$0x1] =	stream.indirect.gather @!p2 [hbm4b:s3+s26], $0x20, s30, s26, $0xb8;
	[tilespmem:$0xB400] =	vst v63  }
0x8c: {  	s31 =	sadd.s32 @!p2 $0x480, s29;
	s0 =	sadd.s32 @!p2 $0x500, s29;
	_ =	swait.ge [sflag:s22], $0x1000  }
0x8d: {  	s28 =	sadd.s32 @!p2 $0x580, s29;
	s29 =	rddreg [dreg:$0xa];
	[sflag:s22] =	ssyncset.done $0x0  }
0x8e: {  	[sflag:s22] =	ssyncadd.s32 $0xFFFFF000;
	s1 =	sadd.s32 s6, s29;
	s29 =	simm.s32 @!p2 $0xA  }
0x8f: {  	[hbm4b:s1+s2] =	stream.linear.scatter [tilespmem:s14], [sflag:$0xD], $0x1000, $0x38;
	[tilespmem:$0xB400] =	vst v63  }
0x90: {  	_ =	swait.ge @!p2 [sflag:s29], $0x1000  }
0x91: {  	[sflag:s29] =	ssyncset.done @!p2 $0x0  }
0x92: {  	s1 =	simm.s32 @!p2 $0x4400;
	[sflag:s29] =	ssyncadd.s32 @!p2 $0xFFFFF000  }
0x93: {  	[tilespmem:s1], [sflag:$0x2] =	stream.indirect.gather @!p2 [hbm4b:s3+s26], $0x20, s31, s26, $0xb8;
	[tilespmem:$0xB400] =	vst v63  }
0x94: {  	_ =	swait.ge [sflag:s23], $0x1000  }
0x95: {  	s30 =	rddreg [dreg:$0x9];
	[sflag:s23] =	ssyncset.done $0x0  }
0x96: {  	s29 =	simm.s32 @!p2 $0xB;
	[sflag:s23] =	ssyncadd.s32 $0xFFFFF000;
	s1 =	sadd.s32 s6, s30  }
0x97: {  	[hbm4b:s1+s2] =	stream.linear.scatter [tilespmem:s16], [sflag:$0xE], $0x1000, $0x38;
	[tilespmem:$0xB400] =	vst v63  }
0x98: {  	_ =	swait.ge @!p2 [sflag:s29], $0x1000  }
0x99: {  	[sflag:s29] =	ssyncset.done @!p2 $0x0  }
0x9a: {  	s1 =	simm.s32 @!p2 $0x5400;
	[sflag:s29] =	ssyncadd.s32 @!p2 $0xFFFFF000  }
0x9b: {  	[tilespmem:s1], [sflag:$0x3] =	stream.indirect.gather @!p2 [hbm4b:s3+s26], $0x20, s0, s26, $0xb8;
	[tilespmem:$0xB400] =	vst v63  }
0x9c: {  	_ =	swait.ge [sflag:s24], $0x1000  }
0x9d: {  	s31 =	rddreg [dreg:$0x8];
	[sflag:s24] =	ssyncset.done $0x0  }
0x9e: {  	s1 =	simm.s32 @!p2 $0xC;
	[sflag:s24] =	ssyncadd.s32 $0xFFFFF000;
	s0 =	sadd.s32 s6, s31  }
0x9f: {  	[hbm4b:s0+s2] =	stream.linear.scatter [tilespmem:s18], [sflag:$0xF], $0x1000, $0x38;
	[tilespmem:$0xB400] =	vst v63  }
0xa0: {  	s4 =	smov.u32 s5;
	s5 =	sadd.s32 $0x1000, s5;
	_ =	swait.ge @!p2 [sflag:s1], $0x1000  }
0xa1: {  	p1 =	sne.s32 s5, $0xD000;
	[sflag:s1] =	ssyncset.done @!p2 $0x0  }
.Ltmp0:
0xa2: {  	s0 =	simm.s32 @!p2 $0x6400;
	[sflag:s1] =	ssyncadd.s32 @!p2 $0xFFFFF000;
	(pc) =	sbr.rel @p1 .LBB2_2-.Ltmp0, $4  }
0xa3: {  	[tilespmem:s0], [sflag:$0x4] =	stream.indirect.gather @!p2 [hbm4b:s3+s26], $0x20, s28, s26, $0xb8;
	[tilespmem:$0xB400] =	vst v63  }
0xa4: {  	_ =	swait.ge [sflag:s25], $0x1000  }
0xa5: {  	[sflag:s25] =	ssyncset.done $0x0  }
0xa6: {  	s28 =	simm.s32 @!p0 $0xD;
	s26 =	rddreg [dreg:$0x7];
	[sflag:s25] =	ssyncadd.s32 $0xFFFFF000  }
0xa7: {  	s0 =	sadd.s32 s6, s26  }
0xa8: {  	[hbm4b:s0+s2] =	stream.linear.scatter [tilespmem:s20], [sflag:$0x10], $0x1000, $0x38;
	[tilespmem:$0xB400] =	vst v63  }
0xa9: {  	_ =	swait.ge @!p0 [sflag:s28], $0x1000  }
0xaa: {  	s29 =	sshra.s32 s4, $0x2;
	[sflag:s28] =	ssyncset.done @!p0 $0x0  }
0xab: {  	s1 =	sadd.s32 $0x200, s29;
	[sflag:s28] =	ssyncadd.s32 @!p0 $0xFFFFF000  }
0xac: {  	[tilespmem:s14], [sflag:$0x5] =	stream.indirect.gather [hbm4b:s3+s7], $0x20, s1, s7, $0xb8;
	[tilespmem:$0xB400] =	vst v63  }
0xad: {  	_ =	swait.ge [sflag:s15], $0x1000  }
0xae: {  	s30 =	rddreg [dreg:$0x6];
	[sflag:s15] =	ssyncset.done $0x0  }
0xaf: {  	s5 =	simm.s32 @!p0 $0xE;
	[sflag:s15] =	ssyncadd.s32 $0xFFFFF000;
	s1 =	sadd.s32 s4, s30  }
0xb0: {  	[hbm4b:s1+s2] =	stream.linear.scatter [tilespmem:s8], [sflag:$0x9], $0x1000, $0x38;
	[tilespmem:$0xB400] =	vst v63  }
0xb1: {  	_ =	swait.ge @!p0 [sflag:s5], $0x1000  }
0xb2: {  	[sflag:s5] =	ssyncset.done @!p0 $0x0  }
0xb3: {  	s31 =	sadd.s32 $0x280, s29;
	[sflag:s5] =	ssyncadd.s32 @!p0 $0xFFFFF000  }
0xb4: {  	[tilespmem:s16], [sflag:$0x6] =	stream.indirect.gather [hbm4b:s3+s7], $0x20, s31, s7, $0xb8;
	[tilespmem:$0xB400] =	vst v63  }
0xb5: {  	_ =	swait.ge [sflag:s17], $0x1000  }
0xb6: {  	s5 =	rddreg [dreg:$0x5];
	[sflag:s17] =	ssyncset.done $0x0  }
0xb7: {  	[sflag:s17] =	ssyncadd.s32 $0xFFFFF000;
	s1 =	sadd.s32 s4, s5;
	s5 =	simm.s32 @!p0 $0xF  }
0xb8: {  	[hbm4b:s1+s2] =	stream.linear.scatter [tilespmem:s9], [sflag:$0xA], $0x1000, $0x38;
	[tilespmem:$0xB400] =	vst v63  }
0xb9: {  	_ =	swait.ge @!p0 [sflag:s5], $0x1000  }
0xba: {  	[sflag:s5] =	ssyncset.done @!p0 $0x0  }
0xbb: {  	s6 =	sadd.s32 $0x300, s29;
	[sflag:s5] =	ssyncadd.s32 @!p0 $0xFFFFF000  }
0xbc: {  	[tilespmem:s18], [sflag:$0x7] =	stream.indirect.gather [hbm4b:s3+s7], $0x20, s6, s7, $0xb8;
	[tilespmem:$0xB400] =	vst v63  }
0xbd: {  	_ =	swait.ge [sflag:s19], $0x1000  }
0xbe: {  	s26 =	rddreg [dreg:$0x4];
	[sflag:s19] =	ssyncset.done $0x0  }
0xbf: {  	s5 =	simm.s32 @!p0 $0x10;
	[sflag:s19] =	ssyncadd.s32 $0xFFFFF000;
	s1 =	sadd.s32 s4, s26  }
0xc0: {  	[hbm4b:s1+s2] =	stream.linear.scatter [tilespmem:s11], [sflag:$0xB], $0x1000, $0x38;
	[tilespmem:$0xB400] =	vst v63  }
0xc1: {  	_ =	swait.ge @!p0 [sflag:s5], $0x1000  }
0xc2: {  	[sflag:s5] =	ssyncset.done @!p0 $0x0  }
0xc3: {  	s0 =	sadd.s32 $0x380, s29;
	[sflag:s5] =	ssyncadd.s32 @!p0 $0xFFFFF000  }
0xc4: {  	[tilespmem:s20], [sflag:$0x8] =	stream.indirect.gather [hbm4b:s3+s7], $0x20, s0, s7, $0xb8;
	[tilespmem:$0xB400] =	vst v63  }
0xc5: {  	_ =	swait.ge [sflag:s21], $0x1000  }
0xc6: {  	s28 =	rddreg [dreg:$0x3];
	[sflag:s21] =	ssyncset.done $0x0  }
0xc7: {  	p0 =	seq.s32 s4, $0xC000;
	[sflag:s21] =	ssyncadd.s32 $0xFFFFF000;
	s0 =	sadd.s32 s4, s28  }
0xc8: {  	[hbm4b:s0+s2] =	stream.linear.scatter [tilespmem:s13], [sflag:$0xC], $0x1000, $0x38;
	[tilespmem:$0xB400] =	vst v63  }
0xc9: {  	s0 =	simm.s32 @!p0 $0x9  }
0xca: {  	_ =	swait.ge @!p0 [sflag:s0], $0x1000  }
0xcb: {  	s1 =	sshra.s32 @!p0 s4, $0x2;
	s6 =	simm.s32 @!p0 $0x80;
	[sflag:s0] =	ssyncset.done @!p0 $0x0  }
0xcc: {  	s5 =	sadd.s32 @!p0 $0x400, s1;
	[sflag:s0] =	ssyncadd.s32 @!p0 $0xFFFFF000;
	s0 =	simm.s32 @!p0 $0x3400  }
0xcd: {  	[tilespmem:s0], [sflag:$0x1] =	stream.indirect.gather @!p0 [hbm4b:s3+s6], $0x20, s5, s6, $0xb8;
	[tilespmem:$0xB400] =	vst v63  }
0xce: {  	_ =	swait.ge [sflag:s22], $0x1000  }
0xcf: {  	s29 =	rddreg [dreg:$0xa];
	[sflag:s22] =	ssyncset.done $0x0  }
0xd0: {  	s5 =	simm.s32 @!p0 $0xA;
	[sflag:s22] =	ssyncadd.s32 $0xFFFFF000;
	s0 =	sadd.s32 s4, s29  }
0xd1: {  	[hbm4b:s0+s2] =	stream.linear.scatter [tilespmem:s14], [sflag:$0xD], $0x1000, $0x38;
	[tilespmem:$0xB400] =	vst v63  }
0xd2: {  	_ =	swait.ge @!p0 [sflag:s5], $0x1000  }
0xd3: {  	[sflag:s5] =	ssyncset.done @!p0 $0x0  }
0xd4: {  	s0 =	sadd.s32 @!p0 $0x480, s1;
	[sflag:s5] =	ssyncadd.s32 @!p0 $0xFFFFF000;
	s5 =	simm.s32 @!p0 $0x4400  }
0xd5: {  	[tilespmem:s5], [sflag:$0x2] =	stream.indirect.gather @!p0 [hbm4b:s3+s6], $0x20, s0, s6, $0xb8;
	[tilespmem:$0xB400] =	vst v63  }
0xd6: {  	_ =	swait.ge [sflag:s23], $0x1000  }
0xd7: {  	s30 =	rddreg [dreg:$0x9];
	[sflag:s23] =	ssyncset.done $0x0  }
0xd8: {  	s5 =	simm.s32 @!p0 $0xB;
	[sflag:s23] =	ssyncadd.s32 $0xFFFFF000;
	s0 =	sadd.s32 s4, s30  }
0xd9: {  	[hbm4b:s0+s2] =	stream.linear.scatter [tilespmem:s16], [sflag:$0xE], $0x1000, $0x38;
	[tilespmem:$0xB400] =	vst v63  }
0xda: {  	_ =	swait.ge @!p0 [sflag:s5], $0x1000  }
0xdb: {  	[sflag:s5] =	ssyncset.done @!p0 $0x0  }
0xdc: {  	s0 =	sadd.s32 @!p0 $0x500, s1;
	[sflag:s5] =	ssyncadd.s32 @!p0 $0xFFFFF000;
	s5 =	simm.s32 @!p0 $0x5400  }
0xdd: {  	[tilespmem:s5], [sflag:$0x3] =	stream.indirect.gather @!p0 [hbm4b:s3+s6], $0x20, s0, s6, $0xb8;
	[tilespmem:$0xB400] =	vst v63  }
0xde: {  	_ =	swait.ge [sflag:s24], $0x1000  }
0xdf: {  	s31 =	rddreg [dreg:$0x8];
	[sflag:s24] =	ssyncset.done $0x0  }
0xe0: {  	[sflag:s24] =	ssyncadd.s32 $0xFFFFF000;
	s0 =	sadd.s32 s4, s31  }
0xe1: {  	[hbm4b:s0+s2] =	stream.linear.scatter [tilespmem:s18], [sflag:$0xF], $0x1000, $0x38;
	[tilespmem:$0xB400] =	vst v63  }
0xe2: {  	s0 =	simm.s32 @!p0 $0xC  }
0xe3: {  	_ =	swait.ge @!p0 [sflag:s0], $0x1000  }
0xe4: {  	[sflag:s0] =	ssyncset.done @!p0 $0x0  }
0xe5: {  	s1 =	sadd.s32 @!p0 $0x580, s1;
	[sflag:s0] =	ssyncadd.s32 @!p0 $0xFFFFF000;
	s0 =	simm.s32 @!p0 $0x6400  }
0xe6: {  	[tilespmem:s0], [sflag:$0x4] =	stream.indirect.gather @!p0 [hbm4b:s3+s6], $0x20, s1, s6, $0xb8;
	[tilespmem:$0xB400] =	vst v63  }
0xe7: {  	_ =	swait.ge [sflag:s25], $0x1000  }
0xe8: {  	s1 =	rddreg [dreg:$0x7];
	[sflag:s25] =	ssyncset.done $0x0  }
0xe9: {  	s0 =	sadd.s32 s4, s1;
	[sflag:s25] =	ssyncadd.s32 $0xFFFFF000;
	s4 =	simm.s32 $0x9  }
0xea: {  	[hbm4b:s0+s2] =	stream.linear.scatter [tilespmem:s20], [sflag:$0x10], $0x1000, $0x38;
	[tilespmem:$0xB400] =	vst v63  }
0xeb: {  	_ =	swait.ge [sflag:s4], $0x1000  }
0xec: {  	[sflag:s4] =	ssyncset.done $0x0  }
0xed: {  	s5 =	simm.s32 $0xA;
	[sflag:s4] =	ssyncadd.s32 $0xFFFFF000  }
0xee: {  	_ =	swait.ge [sflag:s5], $0x1000  }
0xef: {  	[sflag:s5] =	ssyncset.done $0x0  }
0xf0: {  	s6 =	simm.s32 $0xB;
	[sflag:s5] =	ssyncadd.s32 $0xFFFFF000  }
0xf1: {  	_ =	swait.ge [sflag:s6], $0x1000  }
0xf2: {  	[sflag:s6] =	ssyncset.done $0x0  }
0xf3: {  	s26 =	simm.s32 $0xC;
	[sflag:s6] =	ssyncadd.s32 $0xFFFFF000  }
0xf4: {  	_ =	swait.ge [sflag:s26], $0x1000  }
0xf5: {  	[sflag:s26] =	ssyncset.done $0x0  }
0xf6: {  	s28 =	simm.s32 $0xD;
	[sflag:s26] =	ssyncadd.s32 $0xFFFFF000  }
0xf7: {  	_ =	swait.ge [sflag:s28], $0x1000  }
0xf8: {  	[sflag:s28] =	ssyncset.done $0x0  }
0xf9: {  	s29 =	simm.s32 $0xE;
	[sflag:s28] =	ssyncadd.s32 $0xFFFFF000  }
0xfa: {  	_ =	swait.ge [sflag:s29], $0x1000  }
0xfb: {  	[sflag:s29] =	ssyncset.done $0x0  }
0xfc: {  	s30 =	simm.s32 $0xF;
	[sflag:s29] =	ssyncadd.s32 $0xFFFFF000  }
0xfd: {  	_ =	swait.ge [sflag:s30], $0x1000  }
0xfe: {  	[sflag:s30] =	ssyncset.done $0x0  }
0xff: {  	[sflag:s30] =	ssyncadd.s32 $0xFFFFF000  }
0x100: {  	_ =	swait.ge [sflag:s10], $0x1000  }
0x101: {  	s12 =	sadd.s32 $0x1, s12;
	s31 =	rddreg [dreg:$0xc]  }
0x102: {  	p0 =	sne.s32 s12, s31  }
.Ltmp1:
0x103: {  	_ = 	snop;
	(pc) =	sbr.rel @p0 .LBB2_1-.Ltmp1, $3  }
0x104: {  	_ =	sdelay $0x1  }
0x105: {  	[sflag:s10] =	ssyncset.done $0x0  }
0x106: {  	[sflag:s10] =	ssyncadd.s32 $0xFFFFF000  }
0x107: {  	_ =	sfence.sel $0x180000  }
0x108: {  	[bflag:$0x0] =	sbarrier.arrive $0xFFFF  }
0x109: {  	_ =	strace $0x90000047  }
0x10a: {  	s0 =	stileid.u32;
	[bflag:$0x2] =	sbarrier.arrive $0xFFFF  }
0x10b: {  	p0 =	sne.s32 s0, $0x0;
	s0 =	rddreg [dreg:$0x2]  }
0x10c: {  	s0 =	sadd.s32 @!p0 $0x100000, s0  }
0x10d: {  	[sflag:s0] =	ssyncadd.tile.s32 @!p0 $0x1;
	_ =	shalt  }
.Lfunc_end2:
_tile_overlayer_lowered:
.L_overlay_start_2:
0x10e: {  	(tag) =	ssettag $0x2  }
0x10f: {  	s0 =	rddreg [dreg:$0x0];
	s2 =	stileid.u32  }
0x110: {  	s1 =	rddreg [dreg:$0x1];
	p0 =	sne.s32 s2, $0x0  }
0x111: {  	s3 =	rddreg [dreg:$0x2];
	[bflag:$0x3] =	sbarrier.arrive $0xFFFF;
	s2 =	simm.s32 @!p0 $0x1C11  }
0x112: {  	[timem:s3], [sflag:s2] =	dma.local @!p0 [hbm:s0], s1  }
0x113: {  	s0 =	simm.s32 @!p0 $0x11  }
0x114: {  	_ =	swait.ge @!p0 [sflag:s0], s1  }
0x115: {  	s1 =	ssub.s32 @!p0 $0x0, s1;
	[sflag:s0] =	ssyncset.done @!p0 $0x0  }
0x116: {  	[sflag:s0] =	ssyncadd.s32 @!p0 s1  }
0x117: {  	[bflag:$0x3] =	sbarrier.arrive $0xFFFF  }
0x118: {  	_ =	shalt  }

// kernel: sparse-core-data-format-call.cloned.1.call-start
scs
called_computation_lowered:
.L_overlay_start_0:
0x0: {  	s2 =	sld [smem:$0x3FD9]  }
0x1: {  	s3 =	sld [smem:$0x3FFE];
	_ =	sdelay $0x1  }
0x2: {  	s1 =	srdreg.scid  }
0x3: {  	s0 =	sand.u32 $0x1, s1  }
0x4: {  	s18 =	sshll.u32 s0, $0xA;
	s2 =	sadd.s32 s3, s2  }
0x5: {  	s2 =	sadd.s32 s2, s18  }
0x6: {  	[smem:$0x3FC6] =	sst s2  }
0x7: {  	_ = 	snop  }
0x8: {  	s2 =	sld [smem:$0x3FD0];
	(tm) =	ssettm $0x1  }
0x9: {  	s19 =	sld [smem:$0x3FFB];
	_ =	sdelay $0x3  }
0xa: {  	_ =	strace s19  }
0xb: {  	s3 =	sld [smem:$0x3FFC];
	_ =	sdelay $0x3  }
0xc: {  	_ =	strace s3  }
0xd: {  	s3 =	sld [smem:$0x3FFD];
	_ =	sdelay $0x3  }
0xe: {  	_ =	strace s3  }
0xf: {  	_ =	strace $0x8FFFFFFF  }
0x10: {  	s20 =	sld [smem:$0x3FDB];
	_ =	sdelay $0x1  }
0x11: {  	s4 =	simm.s32 $_scs_section_size  }
0x12: {  	s5 =	simm.s32 $_size__tile_overlayer_lowered;
	s6 =	simm.s32 $_tile_overlayer_lowered  }
0x13: {  	s23 =	simm.s32 $0x1BFF;
	s22 =	sshll.u32 s6, $0x1;
	s3 =	sadd.s32 s4, s20  }
0x14: {  	s7 =	simm.s32 $0x0;
	s21 =	sshll.u32 s5, $0x1;
	s5 =	sadd.s32 s22, s3  }
0x15: {  	[timem:s7], [sflag:s23] =	dma.local [hbm:s5], s21  }
0x16: {  	_ =	swait.ge [sflag:s23], s21  }
0x17: {  	s4 =	ssub.s32 $0x0, s21;
	[sflag:s23] =	ssyncset.done $0x0  }
0x18: {  	[sflag:s23] =	ssyncadd.s32 s4;
	_ =	sdelay $0x1  }
0x19: {  	s24 =	simm.s32 $0x1B8B  }
0x1a: {  	_ =	swait.ge [sflag:s24], $0x1  }
0x1b: {  	[sflag:s24] =	ssyncset.done $0x0  }
0x1c: {  	s26 =	simm.s32 $0x1B8E;
	s25 =	sld [smem:$0x3FFE];
	[sflag:s24] =	ssyncadd.s32 $0xFFFFFFFF  }
0x1d: {  	s27 =	simm.s32 $execute0_lowered;
	[smem:$0x3FD2] =	sst s26  }
0x1e: {  	s5 =	sshll.u32 s27, $0x1;
	_ =	strace $0x80000049;
	[dreg:$0x1] =	wrdreg $0xFFFFFFFF  }
0x1f: {  	s28 =	simm.s32 $_size_execute0_lowered;
	s3 =	sadd.s32 s3, s5;
	[dreg:$0x0] =	wrdreg $0x0  }
0x20: {  	s5 =	sshll.u32 s28, $0x1;
	[dreg:$0x2] =	wrdreg s3  }
0x21: {  	[dreg:$0x3] =	wrdreg s5  }
0x22: {  	[dreg:$0x4] =	wrdreg $0xC0  }
0x23: {  	_ =	task [dreg:s7], $0x5FFFF  }
0x24: {  	[dreg:$0x1] =	wrdreg $0xFFFFFFFF  }
0x25: {  	[dreg:$0x0] =	wrdreg $0x60  }
0x26: {  	[dreg:$0x2] =	wrdreg s25  }
0x27: {  	[dreg:$0x3] =	wrdreg s2  }
0x28: {  	[dreg:$0x4] =	wrdreg $0x9  }
0x29: {  	_ =	task.clear_ibuf [dreg:s7], $0x5FFFF;
	_ =	strace $0x90000049  }
0x2a: {  	s29 =	simm.s32 $0x9;
	_ =	strace $0x8000004B  }
0x2b: {  	_ =	swait.ge [sflag:s29], $0x1  }
0x2c: {  	[sflag:s29] =	ssyncadd.s32 $0xFFFFFFFF  }
0x2d: {  	_ =	strace $0x9000004B  }
0x2e: {  	_ =	sfence  }
0x2f: {  	s30 =	sld [smem:$0x0];
	_ =	sdelay $0x2  }
0x30: {  	s31 =	sshll.u32 s1, $0xD;
	s1 =	sshrl.u32 s1, $0x2  }
0x31: {  	s3 =	sand.u32 $0x4000, s31;
	s1 =	sadd.s32 s1, s30  }
0x32: {  	s0 =	sor.u32 s3, s0;
	s1 =	sshll.u32 s1, $0x11  }
0x33: {  	s0 =	sor.u32 s1, s0  }
0x34: {  	s0 =	sadd.s32 $0x8F2B, s0  }
0x35: {  	[sflag:s0] =	ssyncadd.remote.s32 $0x1  }
0x36: {  	_ =	sfence.sel $0xFFFF  }
0x37: {  	[dreg:$0x0] =	wrdreg $0xFFFFFFFF;
	(pc) =	sbr.abs _section_cstart, $3  }
0x38: {  	[dreg:$0x1] =	wrdreg $0xFFFFFFFF  }
0x39: {  	_ =	task.clear_ibuf [dreg:s7], $0x2FFFF;
	_ =	strace $0x9FFFFFFF  }
0x3a: {  	(tm) =	ssettm $0x7FFFFFFF  }
0x3b: {  	_ =	shalt  }
tec
execute0_lowered:
.L_overlay_start_1:
0x0: {  	(tag) =	ssettag $0x1  }
0x1: {  	s0 =	srdreg.scid  }
0x2: {  	s1 =	sshll.u32 s0, $0x4  }
0x3: {  	s0 =	stileid.u32;
	s1 =	sand.u32 $0x10, s1  }
0x4: {  	s1 =	sor.u32 s0, s1  }
0x5: {  	s6 =	rddreg [dreg:$0x0];
	s4 =	simm.s32 $0x1;
	s2 =	sshll.u32 s1, $0x7  }
0x6: {  	s7 =	simm.s32 $0x2;
	s12 =	simm.s32 $0x0;
	s1 =	ssub.s32 $0x4000, s2  }
0x7: {  	s8 =	simm.s32 $0x20000;
	s13 =	simm.s32 $0x0;
	s3 =	sand.u32 $0xF80, s1  }
0x8: {  	s9 =	simm.s32 $0x0;
	s5 =	sshrl.u32 s1, $0xC;
	p0 =	sne.s32 s3, $0x0  }
.Ltmp0:
0x9: {  	s1 =	rddreg [dreg:$0x2];
	s4 =	simm.s32 @!p0 $0x0;
	(pc) =	sbr.rel .LBB1_1-.Ltmp0, $4  }
0xa: {  	s11 =	simm.s32 $0x0;
	s3 =	rddreg [dreg:$0x1];
	s5 =	sadd.s32 s4, s5  }
0xb: {  	_ =	strace $0x8000004A;
	s4 =	simm.s32 $0x1;
	s5 =	smul.u32 $0x1A, s5  }
0xc: {  	s6 =	sadd.s32 $0xE00, s6;
	s10 =	smov.u32 s2;
	[sflag:s4] =	ssyncpa.u1 $0x0  }
0xd: {  	p0 =	por $0x0, $0x0;
	[sflag:s7] =	ssyncpa.u1 $0x0;
	s7 =	sor.u32 $0x1, s5  }
.LBB1_4:
0xe: {  	s16 =	sshll.u32 s13, $0x3;
	s17 =	sand.u32 $0x78, s13  }
0xf: {  	s30 =	sand.u32 $0xF800, s13;
	s12 =	sshll.u32 s12, $0x10;
	s16 =	sand.u32 $0x3C00, s16  }
0x10: {  	s31 =	sand.u32 $0x7, s13;
	s16 =	sor.u32 s17, s16;
	s17 =	sadd.s32 s3, s30  }
0x11: {  	s13 =	sshll.u32 s31, $0x12;
	s16 =	sshrl.u32 s16, $0x3;
	s12 =	sadd.s32 s12, s17  }
0x12: {  	[tilespmem:s15+$0x0 ss:$0x81] =	vst.msk $0xffff, v0;
	s13 =	sor.u32 $0x400, s13;
	s12 =	sadd.s32 s16, s12  }
0x13: {  	[hbm4b:s12+s13] =	stream.strided.scatter [tilespmem:s14], [sflag:$0x2], $0x1000, s8, s13, $0x20;
	[tilespmem:$0x4040] =	vst v63  }
.LBB1_5:
0x14: {  	s14 =	sadd.s32 $0x1, s9  }
0x15: {  	s12 =	sadd.s32 $0x1000, s10;
	s16 =	smov.u32 s10;
	p2 =	sgt.s32 s14, $0x19  }
0x16: {  	s16 =	smov.u32 @p2 s12  }
0x17: {  	s14 =	simm.s32 @p2 $0x0;
	p2 =	sgt.s32 s16, $0x3FFF  }
0x18: {  	s16 =	smov.u32 @p2 s2;
	p2 =	sne.s32 s11, s7  }
.Ltmp1:
0x19: {  	p1 =	slt.u32 s11, $0x2;
	(pc) =	sbr.rel @!p2 .LBB1_6-.Ltmp1, $4  }
0x1a: {  	s15 =	simm.s32 @!p1 $0x2  }
0x1b: {  	s13 =	smov.u32 s10;
	p0 =	por !p0, !p0;
	_ =	swait.ge @!p1 [sflag:s15], $0x1000  }
0x1c: {  	s12 =	smov.u32 s9;
	[sflag:s15] =	ssyncset.done @!p1 $0x0;
	s9 =	smov.u32 s14  }
0x1d: {  	s11 =	sadd.s32 $0x1, s11;
	[sflag:s15] =	ssyncadd.s32 @!p1 $0xFFFFF000;
	s10 =	smov.u32 s16  }
.LBB1_1:
0x1e: {  	p1 =	sge.u32 s11, s5  }
0x1f: {  	s31 =	sadd.s32 $0xFFFFFFFF, s11;
	s14 =	sxor.u32 @!p1 $0xFFFFFFFF, s11  }
0x20: {  	s15 =	sshll.u32 @!p1 s10, $0x9;
	s16 =	sshll.u32 @!p1 s9, $0x4;
	s17 =	simm.s32 @!p1 $0x1000  }
0x21: {  	s14 =	sshll.u32 @!p1 s14, $0xC;
	s16 =	sand.u32 @!p1 $0x1F0, s16;
	s15 =	sadd.s32 @!p1 s6, s15  }
0x22: {  	s14 =	sand.u32 @!p1 $0x1000, s14;
	s15 =	sadd.s32 @!p1 s16, s15;
	s16 =	simm.s32 @!p1 $0x20  }
0x23: {  	[tilespmem:s14], [sflag:$0x1] =	stream.strided.gather @!p1 [hbm4b:s15+s16], $0x1000, s17, s16, $0x38;
	[tilespmem:$0x4040] =	vst v63  }
0x24: {  	p1 =	sge.u32 s31, s5  }
.Ltmp2:
0x25: {  	_ = 	snop;
	(pc) =	sbr.rel @p1 .LBB1_5-.Ltmp2, $1  }
0x26: {  	_ =	sdelay $0x3  }
0x27: {  	s14 =	simm.s32 $0x1  }
0x28: {  	_ =	swait.ge [sflag:s4], $0x1000;
	s14 =	simm.s32 @!p0 $0x0  }
0x29: {  	[sflag:s4] =	ssyncset.done $0x0;
	s15 =	sshll.u32 s14, $0xC  }
0x2a: {  	[sflag:s4] =	ssyncadd.s32 $0xFFFFF000;
	s18 =	sor.u32 $0x10, s15  }
0x2b: {  	s14 =	smul.u32 $0x4080, s14;
	v1 =	vld [tilespmem:s18+$0x0]  }
0x2c: {  	s30 =	sand.u32 $0x1, s11;
	v0 =	vld [tilespmem:s18+$0xFFFFFFF0]  }
0x2d: {  	s15 =	smul.u32 $0x4080, s30;
	s14 =	sshrl.u32 s14, $0x2  }
0x2e: {  	s16 =	sor.u32 $0x2000, s14  }
0x2f: {  	s31 =	sshrl.u32 s15, $0x2;
	s15 =	sadd.s32 $0x0, s16  }
0x30: {  	s17 =	simm.s32 $0x4;
	s18 =	sadd.s32 $0x20, s18;
	s14 =	sor.u32 $0x2000, s31;
	[tilespmem:s15+$0x810 ss:$0x81] =	vst.msk $0xffff, v1  }
.LBB1_3:
0x31: {  	v1 =	vld [tilespmem:s18+$0x0];
	p1 =	sne.s32 s17, $0x1FC;
	[tilespmem:s15+$0x0 ss:$0x81] =	vst.msk $0xffff, v0;
	s15 =	smov.u32 s17;
	s17 =	sadd.s32 $0x4, s17  }
.Ltmp3:
0x32: {  	v0 =	vld [tilespmem:s18+$0xFFFFFFF0];
	(pc) =	sbr.rel @p1 .LBB1_3-.Ltmp3, $4  }
0x33: {  	_ = 	snop  }
0x34: {  	s15 =	sshra.s32 s15, $0x2  }
0x35: {  	s15 =	sadd.s32 s15, s16  }
0x36: {  	s18 =	sadd.s32 $0x20, s18;
	[tilespmem:s15+$0x810 ss:$0x81] =	vst.msk $0xffff, v1  }
.Ltmp4:
0x37: {  	_ = 	snop;
	(pc) =	sbr.rel .LBB1_4-.Ltmp4, $1  }
0x38: {  	_ =	sdelay $0x3  }
.LBB1_6:
0x39: {  	_ =	sfence.sel $0x180000  }
0x3a: {  	s2 =	simm.s32 $0x1;
	[bflag:$0x0] =	sbarrier.arrive $0xFFFF  }
0x3b: {  	s31 =	simm.s32 $0x2;
	[sflag:s2] =	ssyncpa.u1 $0x1  }
0x3c: {  	[sflag:s31] =	ssyncpa.u1 $0x1  }
0x3d: {  	p0 =	sne.s32 s0, $0x0;
	_ =	strace $0x9000004A  }
0x3e: {  	s0 =	sadd.s32 @!p0 $0x100000, s1;
	[bflag:$0x2] =	sbarrier.arrive $0xFFFF  }
0x3f: {  	[sflag:s0] =	ssyncadd.tile.s32 @!p0 $0x1;
	_ =	shalt  }
.Lfunc_end1:
_tile_overlayer_lowered:
.L_overlay_start_2:
0x40: {  	(tag) =	ssettag $0x2  }
0x41: {  	s0 =	rddreg [dreg:$0x0];
	s2 =	stileid.u32  }
0x42: {  	s1 =	rddreg [dreg:$0x1];
	p0 =	sne.s32 s2, $0x0  }
0x43: {  	s3 =	rddreg [dreg:$0x2];
	[bflag:$0x3] =	sbarrier.arrive $0xFFFF;
	s2 =	simm.s32 @!p0 $0x1C01  }
0x44: {  	[timem:s3], [sflag:s2] =	dma.local @!p0 [hbm:s0], s1  }
0x45: {  	s0 =	simm.s32 @!p0 $0x1  }
0x46: {  	_ =	swait.ge @!p0 [sflag:s0], s1  }
0x47: {  	s1 =	ssub.s32 @!p0 $0x0, s1;
	[sflag:s0] =	ssyncset.done @!p0 $0x0  }
0x48: {  	[sflag:s0] =	ssyncadd.s32 @!p0 s1  }
0x49: {  	[bflag:$0x3] =	sbarrier.arrive $0xFFFF  }
0x4a: {  	_ =	shalt  }

</sc_bundles>
